<compile_context>
chip_gen: v7x
topology: tpu7x:2x2x1
jax: 0.10.2.dev20260603
libtpu: 0.0.44.dev20260713+nightly
codegen_flags: <defaults>
</compile_context>

<pallas_src>
import jax
import jax.numpy as jnp
from jax import lax
from jax.experimental import pallas as pl
from jax.experimental.pallas import tpu as pltpu
from jax.experimental.pallas import tpu_sc as plsc

N = 10000
D = 128
DW = D + 16
E = 320000
NC = 2
NS = 16
NW = NC * NS
EPW = E // NW
CHUNK = 80
NCHUNK = EPW // CHUNK
RPT = 640
LASTR = N - (NS - 1) * RPT


def _k1_body(x_ref, w_ref, as_ref, ad_ref, hxa_ref, adx_ref, m_ref, mx_sc):
    i = pl.program_id(0)
    hb = jnp.dot(x_ref[...], w_ref[...], preferred_element_type=jnp.float32)
    axb = jnp.sum(hb * as_ref[...], axis=1, keepdims=True)
    adxb = jnp.sum(hb * ad_ref[...], axis=1, keepdims=True)
    hxa_ref[...] = jnp.concatenate(
        [hb, jnp.broadcast_to(axb, (hb.shape[0], 16))], axis=1)
    adx_ref[...] = jnp.broadcast_to(adxb, adx_ref.shape)

    @pl.when(i == 0)
    def _():
        mx_sc[0, 0] = -jnp.inf
        mx_sc[0, 1] = -jnp.inf

    mx_sc[0, 0] = jnp.maximum(mx_sc[0, 0], jnp.max(axb))
    mx_sc[0, 1] = jnp.maximum(mx_sc[0, 1], jnp.max(adxb))

    @pl.when(i == pl.num_programs(0) - 1)
    def _():
        r = mx_sc[0, 0] + mx_sc[0, 1]
        m_ref[...] = jnp.where(r > 0.0, r, 0.2 * r).reshape(1, 1)


def _k1(x, W, att_src, att_dst):
    BN = 1000
    return pl.pallas_call(
        _k1_body,
        grid=(N // BN,),
        in_specs=[
            pl.BlockSpec((BN, D), lambda i: (i, 0)),
            pl.BlockSpec((D, D), lambda i: (0, 0)),
            pl.BlockSpec((1, D), lambda i: (0, 0)),
            pl.BlockSpec((1, D), lambda i: (0, 0)),
        ],
        out_specs=[
            pl.BlockSpec((BN, DW), lambda i: (i, 0)),
            pl.BlockSpec((BN, 16), lambda i: (i, 0)),
            pl.BlockSpec((1, 1), lambda i: (0, 0)),
        ],
        out_shape=[
            jax.ShapeDtypeStruct((N, DW), jnp.float32),
            jax.ShapeDtypeStruct((N, 16), jnp.float32),
            jax.ShapeDtypeStruct((1, 1), jnp.float32),
        ],
        scratch_shapes=[pltpu.SMEM((1, 2), jnp.float32)],
    )(x, W, att_src.reshape(1, D), att_dst.reshape(1, D))


def _k2_body(hxa_h, adx_h, perm_h, src_h, dst_h, m_h,
             acc_h, hxap0_h, hxap1_h, adxp0_h, adxp1_h,
             src_v, dsts_v, p_v, rows_v, bvb_v, m_v,
             src_all, dst_all, sem, out_sh):
    cid = lax.axis_index("c")
    sid = lax.axis_index("s")
    wid = sid * NC + cid
    nk = jnp.where(sid == NS - 1, LASTR // CHUNK, RPT // CHUNK)

    pltpu.sync_copy(m_h, m_v)

    zero16 = jnp.zeros((16,), jnp.float32)

    def _zero_rows(r, c):
        for j in range(DW // 16):
            rows_v[r, pl.ds(j * 16, 16)] = zero16
        return c
    lax.fori_loop(0, CHUNK, _zero_rows, 0)

    def _zero_stripes(k, c):
        off = pl.ds(sid * RPT + k * CHUNK, CHUNK)
        pltpu.sync_copy(rows_v, out_sh.at[off])
        return c
    lax.fori_loop(0, nk, _zero_stripes, 0)

    def _build(k, c):
        off = sid * RPT + k * CHUNK
        pltpu.sync_copy(perm_h.at[pl.ds(off, CHUNK)], src_v)
        g1 = pltpu.async_copy(hxa_h.at[src_v], rows_v, sem)
        g2 = pltpu.async_copy(adx_h.at[src_v], bvb_v, sem)
        g1.wait()
        g2.wait()

        @pl.when(cid == 0)
        def _():
            pltpu.sync_copy(rows_v, hxap0_h.at[pl.ds(off, CHUNK)])
            pltpu.sync_copy(bvb_v, adxp0_h.at[pl.ds(off, CHUNK)])

        @pl.when(cid == 1)
        def _():
            pltpu.sync_copy(rows_v, hxap1_h.at[pl.ds(off, CHUNK)])
            pltpu.sync_copy(bvb_v, adxp1_h.at[pl.ds(off, CHUNK)])
        return c
    lax.fori_loop(0, nk, _build, 0)

    ca = pltpu.async_copy(src_h.at[pl.ds(wid * EPW, EPW)], src_all, sem)
    cb = pltpu.async_copy(dst_h.at[pl.ds(wid * EPW, EPW)], dst_all, sem)
    ca.wait()
    cb.wait()

    plsc.subcore_barrier()

    mv = m_v[...]
    ziota = lax.iota(jnp.int32, 16) * 0

    def _chunk(i, c):
        sl_s = src_all.at[pl.ds(i * CHUNK, CHUNK)]
        sl_d = dst_all.at[pl.ds(i * CHUNK, CHUNK)]
        cd = pltpu.async_copy(dst_h.at[pl.ds(wid * EPW + i * CHUNK, CHUNK)],
                              dsts_v, sem)

        @pl.when(cid == 0)
        def _():
            g1 = pltpu.async_copy(adxp0_h.at[sl_d], bvb_v, sem)
            g2 = pltpu.async_copy(hxap0_h.at[sl_s], rows_v, sem)
            g1.wait()
            g2.wait()

        @pl.when(cid == 1)
        def _():
            g1 = pltpu.async_copy(adxp1_h.at[sl_d], bvb_v, sem)
            g2 = pltpu.async_copy(hxap1_h.at[sl_s], rows_v, sem)
            g1.wait()
            g2.wait()
        cd.wait()

        for j in range(CHUNK // 16):
            sl = pl.ds(j * 16, 16)
            ridx = lax.iota(jnp.int32, 16) + j * 16
            av = plsc.load_gather(rows_v, [ridx, ziota + D])
            bv = plsc.load_gather(bvb_v, [ridx, ziota])
            raw = av + bv
            e = jnp.where(raw > 0.0, raw, raw * 0.2)
            p_v[sl] = jnp.exp(e - mv)

        def _scale(r, cc):
            pr = plsc.load_gather(p_v, [jnp.zeros((16,), jnp.int32) + r])
            for j in range(D // 16):
                csl = pl.ds(j * 16, 16)
                rows_v[r, csl] = rows_v[r, csl] * pr
            rows_v[r, pl.ds(D, 16)] = pr
            return cc
        lax.fori_loop(0, CHUNK, _scale, 0)

        s1 = pltpu.async_copy(rows_v, out_sh.at[dsts_v], sem, add=True)
        s1.wait()
        return c

    lax.fori_loop(0, NCHUNK, _chunk, 0)

    plsc.subcore_barrier()

    @pl.when(sid < NS - 1)
    def _():
        pltpu.sync_copy(out_sh.at[pl.ds(sid * RPT, RPT)],
                        acc_h.at[pl.ds(cid * N + sid * RPT, RPT)])

    @pl.when(sid == NS - 1)
    def _():
        pltpu.sync_copy(out_sh.at[pl.ds((NS - 1) * RPT, LASTR)],
                        acc_h.at[pl.ds(cid * N + (NS - 1) * RPT, LASTR)])


def _k2(hxa, adx16, perm_i, src, dst, mvec):
    mesh = plsc.VectorSubcoreMesh(core_axis_name="c", subcore_axis_name="s")
    f = pl.kernel(
        _k2_body,
        out_type=[
            jax.ShapeDtypeStruct((NC * N, DW), jnp.float32),
            jax.ShapeDtypeStruct((N, DW), jnp.float32),
            jax.ShapeDtypeStruct((N, DW), jnp.float32),
            jax.ShapeDtypeStruct((N, 16), jnp.float32),
            jax.ShapeDtypeStruct((N, 16), jnp.float32),
        ],
        mesh=mesh,
        compiler_params=pltpu.CompilerParams(needs_layout_passes=False,
                                            use_tc_tiling_on_sc=False),
        scratch_types=[
            pltpu.VMEM((CHUNK,), jnp.int32),
            pltpu.VMEM((CHUNK,), jnp.int32),
            pltpu.VMEM((CHUNK,), jnp.float32),
            pltpu.VMEM((CHUNK, DW), jnp.float32),
            pltpu.VMEM((CHUNK, 16), jnp.float32),
            pltpu.VMEM((16,), jnp.float32),
            pltpu.VMEM((EPW,), jnp.int32),
            pltpu.VMEM((EPW,), jnp.int32),
            pltpu.SemaphoreType.DMA,
            pltpu.VMEM_SHARED((N, DW), jnp.float32),
        ],
    )
    return f(hxa, adx16, perm_i, src, dst, mvec)


def _k3_body(a0_ref, a1_ref, wh_ref, bh_ref, out_ref, acc_sc):
    i = pl.program_id(0)
    a = a0_ref[...] + a1_ref[...]
    dsum = a[:, D]
    o = a[:, :D] / (dsum[:, None] + 1e-16)
    o = jnp.where(o > 0.0, o, jnp.exp(jnp.minimum(o, 0.0)) - 1.0)

    @pl.when(i == 0)
    def _():
        acc_sc[...] = jnp.zeros_like(acc_sc)

    acc_sc[...] += jnp.sum(o, axis=0, keepdims=True)

    @pl.when(i == pl.num_programs(0) - 1)
    def _():
        out_ref[...] = (jnp.sum(acc_sc[...] * wh_ref[...].T) / N
                        + jnp.sum(bh_ref[...])).reshape(1, 1)


def _k3(acc0, acc1, W_head, b_head):
    BN = 1000
    return pl.pallas_call(
        _k3_body,
        grid=(N // BN,),
        in_specs=[
            pl.BlockSpec((BN, DW), lambda i: (i, 0)),
            pl.BlockSpec((BN, DW), lambda i: (i, 0)),
            pl.BlockSpec((D, 1), lambda i: (0, 0)),
            pl.BlockSpec((1, 1), lambda i: (0, 0)),
        ],
        out_specs=pl.BlockSpec((1, 1), lambda i: (0, 0)),
        out_shape=jax.ShapeDtypeStruct((1, 1), jnp.float32),
        scratch_shapes=[pltpu.VMEM((1, D), jnp.float32)],
    )(acc0, acc1, W_head, b_head.reshape(1, 1))


def kernel(x, perm, edge_index, W, att_src, att_dst, W_head, b_head):
    hxa, adx16, M = _k1(x, W, att_src, att_dst)

    perm_i = perm.astype(jnp.int32)
    src = edge_index[0].astype(jnp.int32)
    dst = edge_index[1].astype(jnp.int32)
    mvec = jnp.broadcast_to(M.reshape(1), (16,))

    acc = _k2(hxa, adx16, perm_i, src, dst, mvec)[0]

    pred = _k3(acc[:N], acc[N:], W_head, b_head)
    return pred.reshape(1)

# --- scband reference (transcript-rebuilt; emitter-appended) ---
"""Pipeline reference for scband-plan-model-30253749633408 (READ-ONLY COPY).

The authoritative reference and input builder live on the scoring server;
editing this copy changes nothing except your own understanding.
"""

import jax, jax.numpy as jnp
import numpy as np

N = 10000
E = 320000
D = 128

def setup_inputs(seed: int = 0) -> dict:
    key = jax.random.key(seed)
    k_x, k_perm, k_ei, k_w, k_as, k_ad, k_wh, k_bh = jax.random.split(key, 8)
    x = jax.random.normal(k_x, (N, D), dtype=jnp.float32)
    perm = jax.random.permutation(k_perm, N).astype(jnp.int64)
    edge_index = jax.random.randint(k_ei, (2, E), 0, N).astype(jnp.int64)
    W = jax.random.normal(k_w, (D, D), dtype=jnp.float32) * (1.0 / np.sqrt(D))
    att_src = jax.random.normal(k_as, (D,), dtype=jnp.float32) * (1.0 / np.sqrt(D))
    att_dst = jax.random.normal(k_ad, (D,), dtype=jnp.float32) * (1.0 / np.sqrt(D))
    W_head = jax.random.normal(k_wh, (D, 1), dtype=jnp.float32) * (1.0 / np.sqrt(D))
    b_head = jnp.zeros((1,), dtype=jnp.float32)
    return {"x": x, "perm": perm, "edge_index": edge_index, "W": W,
            "att_src": att_src, "att_dst": att_dst, "W_head": W_head, "b_head": b_head}

def reference(x, perm, edge_index, W, att_src, att_dst, W_head, b_head):
    # NodeEncoder output aligned to graph node order via perm (gather)
    xp = jnp.take(x, perm, axis=0)                      # [N, D] gather
    # GATTreeEncoder: single-head GAT layer
    h = xp @ W                                          # [N, D]
    src = edge_index[0]
    dst = edge_index[1]
    a_src = h @ att_src                                 # [N]
    a_dst = h @ att_dst                                 # [N]
    e = jax.nn.leaky_relu(jnp.take(a_src, src) + jnp.take(a_dst, dst), negative_slope=0.2)  # [E]
    # segment softmax over incoming edges of dst
    m = jax.ops.segment_max(e, dst, num_segments=N)     # [N]
    m = jnp.where(jnp.isfinite(m), m, 0.0)
    e_exp = jnp.exp(e - jnp.take(m, dst))               # [E]
    denom = jax.ops.segment_sum(e_exp, dst, num_segments=N)  # [N]
    alpha = e_exp / (jnp.take(denom, dst) + 1e-16)      # [E]
    msg = alpha[:, None] * jnp.take(h, src, axis=0)     # [E, D] gather
    out = jax.ops.segment_sum(msg, dst, num_segments=N) # [N, D] scatter-add
    out = jax.nn.elu(out)
    # global mean pool -> plan embedding
    plan_emb = jnp.mean(out, axis=0)                    # [D]
    # PredictionHead
    pred = plan_emb @ W_head + b_head                   # [1]
    return pred

if __name__ == "__main__":
    import jax
    _d = setup_inputs()
    print(jax.jit(kernel)(*tuple(_d.values())))

</pallas_src>

<mosaic_0001>
#map = affine_map<(d0, d1) -> (0, 0)>
#map1 = affine_map<(d0, d1) -> (0)>
module attributes {stable_mosaic.version = 14 : i64} {
  func.func @_k2_body(%arg0: i32, %arg1: i32, %arg2: memref<10000x144xf32, #tpu.memory_space<hbm>>, %arg3: memref<10000x16xf32, #tpu.memory_space<hbm>>, %arg4: memref<10000xi32, #tpu.memory_space<hbm>>, %arg5: memref<320000xi32, #tpu.memory_space<hbm>>, %arg6: memref<320000xi32, #tpu.memory_space<hbm>>, %arg7: memref<16xf32, #tpu.memory_space<hbm>>, %arg8: memref<20000x144xf32, #tpu.memory_space<hbm>>, %arg9: memref<10000x144xf32, #tpu.memory_space<hbm>>, %arg10: memref<10000x144xf32, #tpu.memory_space<hbm>>, %arg11: memref<10000x16xf32, #tpu.memory_space<hbm>>, %arg12: memref<10000x16xf32, #tpu.memory_space<hbm>>, %arg13: memref<80xi32, #tpu.memory_space<vmem>>, %arg14: memref<80xi32, #tpu.memory_space<vmem>>, %arg15: memref<80xf32, #tpu.memory_space<vmem>>, %arg16: memref<80x144xf32, #tpu.memory_space<vmem>>, %arg17: memref<80x16xf32, #tpu.memory_space<vmem>>, %arg18: memref<16xf32, #tpu.memory_space<vmem>>, %arg19: memref<10000xi32, #tpu.memory_space<vmem>>, %arg20: memref<10000xi32, #tpu.memory_space<vmem>>, %arg21: memref<!tpu.dma_semaphore, #tpu.memory_space<semaphore_mem>>, %arg22: memref<10000x144xf32, #tpu.memory_space<vmem_shared>>) attributes {dimension_semantics = [#tpu.dimension_semantics<core_parallel>, #tpu.dimension_semantics<subcore_parallel>], iteration_bounds = array<i64: 2, 16>, scalar_prefetch = 0 : i64, scratch_operands = 10 : i64, tpu.core_type = #tpu.core_type<sc_vector_subcore>, window_params = [{transform_indices = #map}, {transform_indices = #map}, {transform_indices = #map1}, {transform_indices = #map1}, {transform_indices = #map1}, {transform_indices = #map1}, {transform_indices = #map}, {transform_indices = #map}, {transform_indices = #map}, {transform_indices = #map}, {transform_indices = #map}]} {
    %mul3A = arith.constant 2 : i32
    %mul3A_0 = arith.muli %arg1, %mul3A : i32
    %add3A = arith.addi %mul3A_0, %arg0 : i32
    %eq3A = arith.constant 15 : i32
    %eq3A_1 = arith.cmpi eq, %arg1, %eq3A : i32
    %jit3A = arith.constant 5 : i32
    %jit3A_2 = arith.constant 8 : i32
    %select_n3A = arith.select %eq3A_1, %jit3A, %jit3A_2 : i32
    "tpu.region"() ({
      %run_scoped3A = tpu.sem_alloc : memref<!tpu.dma_semaphore, #tpu.memory_space<semaphore_mem>>
      tpu.enqueue_dma source(%arg7 : memref<16xf32, #tpu.memory_space<hbm>>) target(%arg18 : memref<16xf32, #tpu.memory_space<vmem>>) target_semaphore(%run_scoped3A : memref<!tpu.dma_semaphore, #tpu.memory_space<semaphore_mem>>)
      tpu.wait_dma2 semaphore(%run_scoped3A : memref<!tpu.dma_semaphore, #tpu.memory_space<semaphore_mem>>) src(%arg7 : memref<16xf32, #tpu.memory_space<hbm>>) dst(%arg18 : memref<16xf32, #tpu.memory_space<vmem>>)
      tpu.yield
    }) : () -> ()
    %broadcast_in_dim3A = arith.constant 0.000000e+00 : f32
    %broadcast_in_dim3A_3 = vector.broadcast %broadcast_in_dim3A : f32 to vector<16xf32>
    %scan3A = arith.constant 0 : i32
    %scan3A_4 = arith.constant 0 : i32
    %scan3A_5 = arith.constant 80 : i32
    %scan3A_6 = arith.addi %scan3A_4, %scan3A_5 : i32
    %scan3A_7 = arith.constant 1 : i32
    scf.for %scan3A_56 = %scan3A_4 to %scan3A_6 step %scan3A_7  : i32 {
      %swap3A = arith.index_cast %scan3A_56 : i32 to index
      %swap3A_57 = arith.constant 0 : index
      %swap3A_58 = tpu.vector_load %arg16[%swap3A, %swap3A_57] {strides = array<i32>} : memref<80x144xf32, #tpu.memory_space<vmem>>, vector<16xf32>,
      tpu.vector_store %arg16[%swap3A, %swap3A_57], %broadcast_in_dim3A_3 {strides = array<i32>} : memref<80x144xf32, #tpu.memory_space<vmem>>, vector<16xf32>,
      %swap3A_59 = arith.index_cast %scan3A_56 : i32 to index
      %swap3A_60 = arith.constant 16 : index
      %swap3A_61 = tpu.vector_load %arg16[%swap3A_59, %swap3A_60] {strides = array<i32>} : memref<80x144xf32, #tpu.memory_space<vmem>>, vector<16xf32>,
      tpu.vector_store %arg16[%swap3A_59, %swap3A_60], %broadcast_in_dim3A_3 {strides = array<i32>} : memref<80x144xf32, #tpu.memory_space<vmem>>, vector<16xf32>,
      %swap3A_62 = arith.index_cast %scan3A_56 : i32 to index
      %swap3A_63 = arith.constant 32 : index
      %swap3A_64 = tpu.vector_load %arg16[%swap3A_62, %swap3A_63] {strides = array<i32>} : memref<80x144xf32, #tpu.memory_space<vmem>>, vector<16xf32>,
      tpu.vector_store %arg16[%swap3A_62, %swap3A_63], %broadcast_in_dim3A_3 {strides = array<i32>} : memref<80x144xf32, #tpu.memory_space<vmem>>, vector<16xf32>,
      %swap3A_65 = arith.index_cast %scan3A_56 : i32 to index
      %swap3A_66 = arith.constant 48 : index
      %swap3A_67 = tpu.vector_load %arg16[%swap3A_65, %swap3A_66] {strides = array<i32>} : memref<80x144xf32, #tpu.memory_space<vmem>>, vector<16xf32>,
      tpu.vector_store %arg16[%swap3A_65, %swap3A_66], %broadcast_in_dim3A_3 {strides = array<i32>} : memref<80x144xf32, #tpu.memory_space<vmem>>, vector<16xf32>,
      %swap3A_68 = arith.index_cast %scan3A_56 : i32 to index
      %swap3A_69 = arith.constant 64 : index
      %swap3A_70 = tpu.vector_load %arg16[%swap3A_68, %swap3A_69] {strides = array<i32>} : memref<80x144xf32, #tpu.memory_space<vmem>>, vector<16xf32>,
      tpu.vector_store %arg16[%swap3A_68, %swap3A_69], %broadcast_in_dim3A_3 {strides = array<i32>} : memref<80x144xf32, #tpu.memory_space<vmem>>, vector<16xf32>,
      %swap3A_71 = arith.index_cast %scan3A_56 : i32 to index
      %swap3A_72 = arith.constant 80 : index
      %swap3A_73 = tpu.vector_load %arg16[%swap3A_71, %swap3A_72] {strides = array<i32>} : memref<80x144xf32, #tpu.memory_space<vmem>>, vector<16xf32>,
      tpu.vector_store %arg16[%swap3A_71, %swap3A_72], %broadcast_in_dim3A_3 {strides = array<i32>} : memref<80x144xf32, #tpu.memory_space<vmem>>, vector<16xf32>,
      %swap3A_74 = arith.index_cast %scan3A_56 : i32 to index
      %swap3A_75 = arith.constant 96 : index
      %swap3A_76 = tpu.vector_load %arg16[%swap3A_74, %swap3A_75] {strides = array<i32>} : memref<80x144xf32, #tpu.memory_space<vmem>>, vector<16xf32>,
      tpu.vector_store %arg16[%swap3A_74, %swap3A_75], %broadcast_in_dim3A_3 {strides = array<i32>} : memref<80x144xf32, #tpu.memory_space<vmem>>, vector<16xf32>,
      %swap3A_77 = arith.index_cast %scan3A_56 : i32 to index
      %swap3A_78 = arith.constant 112 : index
      %swap3A_79 = tpu.vector_load %arg16[%swap3A_77, %swap3A_78] {strides = array<i32>} : memref<80x144xf32, #tpu.memory_space<vmem>>, vector<16xf32>,
      tpu.vector_store %arg16[%swap3A_77, %swap3A_78], %broadcast_in_dim3A_3 {strides = array<i32>} : memref<80x144xf32, #tpu.memory_space<vmem>>, vector<16xf32>,
      %swap3A_80 = arith.index_cast %scan3A_56 : i32 to index
      %swap3A_81 = arith.constant 128 : index
      %swap3A_82 = tpu.vector_load %arg16[%swap3A_80, %swap3A_81] {strides = array<i32>} : memref<80x144xf32, #tpu.memory_space<vmem>>, vector<16xf32>,
      tpu.vector_store %arg16[%swap3A_80, %swap3A_81], %broadcast_in_dim3A_3 {strides = array<i32>} : memref<80x144xf32, #tpu.memory_space<vmem>>, vector<16xf32>,
    }
    %scan3A_8 = arith.constant 80 : i32
    %while3A = arith.constant 0 : i32
    %while3A_9 = arith.constant 0 : i32
    %while3A_10 = arith.subi %select_n3A, %while3A_9 : i32
    %while3A_11 = arith.addi %while3A_9, %while3A_10 : i32
    %while3A_12 = arith.constant 1 : i32
    %while3A_13 = arith.divsi %while3A_10, %while3A_12 : i32
    %while3A_14 = arith.muli %while3A_13, %while3A_12 : i32
    %while3A_15 = arith.addi %while3A_9, %while3A_14 : i32
    %while3A_16 = arith.constant 1 : i32
    scf.for %while3A_56 = %while3A_9 to %while3A_15 step %while3A_16  : i32 {
      %mul3A_57 = arith.constant 640 : i32
      %mul3A_58 = arith.muli %arg1, %mul3A_57 : i32
      %mul3A_59 = arith.constant 80 : i32
      %mul3A_60 = arith.muli %while3A_56, %mul3A_59 : i32
      %add3A_61 = arith.addi %mul3A_58, %mul3A_60 : i32
      "tpu.region"() ({
        %run_scoped3A = tpu.sem_alloc : memref<!tpu.dma_semaphore, #tpu.memory_space<semaphore_mem>>
        %dma_start3A_62 = arith.constant 0 : i32
        %dma_start3A_63 = tpu.memref_slice %arg22[%add3A_61, %dma_start3A_62] : memref<10000x144xf32, #tpu.memory_space<vmem_shared>> -> memref<80x144xf32, #tpu.memory_space<vmem_shared>>
        %dma_start3A_64 = arith.constant 0 : i32
        %dma_start3A_65 = tpu.memref_slice %arg22[%add3A_61, %dma_start3A_64] : memref<10000x144xf32, #tpu.memory_space<vmem_shared>> -> memref<80x144xf32, #tpu.memory_space<vmem_shared>>
        tpu.enqueue_dma source(%arg16 : memref<80x144xf32, #tpu.memory_space<vmem>>) target(%dma_start3A_65 : memref<80x144xf32, #tpu.memory_space<vmem_shared>>) target_semaphore(%run_scoped3A : memref<!tpu.dma_semaphore, #tpu.memory_space<semaphore_mem>>)
        %dma_wait3A_66 = arith.constant 0 : i32
        %dma_wait3A_67 = tpu.memref_slice %arg22[%add3A_61, %dma_wait3A_66] : memref<10000x144xf32, #tpu.memory_space<vmem_shared>> -> memref<80x144xf32, #tpu.memory_space<vmem_shared>>
        %dma_wait3A_68 = arith.constant 0 : i32
        %dma_wait3A_69 = tpu.memref_slice %arg22[%add3A_61, %dma_wait3A_68] : memref<10000x144xf32, #tpu.memory_space<vmem_shared>> -> memref<80x144xf32, #tpu.memory_space<vmem_shared>>
        tpu.wait_dma2 semaphore(%run_scoped3A : memref<!tpu.dma_semaphore, #tpu.memory_space<semaphore_mem>>) src(%arg16 : memref<80x144xf32, #tpu.memory_space<vmem>>) dst(%dma_wait3A_69 : memref<80x144xf32, #tpu.memory_space<vmem_shared>>)
        tpu.yield
      }) : () -> ()
    }
    %while3A_17 = arith.constant 1 : i32
    scf.for %while3A_56 = %while3A_15 to %while3A_11 step %while3A_17  : i32 {
      %mul3A_57 = arith.constant 640 : i32
      %mul3A_58 = arith.muli %arg1, %mul3A_57 : i32
      %mul3A_59 = arith.constant 80 : i32
      %mul3A_60 = arith.muli %while3A_56, %mul3A_59 : i32
      %add3A_61 = arith.addi %mul3A_58, %mul3A_60 : i32
      "tpu.region"() ({
        %run_scoped3A = tpu.sem_alloc : memref<!tpu.dma_semaphore, #tpu.memory_space<semaphore_mem>>
        %dma_start3A_62 = arith.constant 0 : i32
        %dma_start3A_63 = tpu.memref_slice %arg22[%add3A_61, %dma_start3A_62] : memref<10000x144xf32, #tpu.memory_space<vmem_shared>> -> memref<80x144xf32, #tpu.memory_space<vmem_shared>>
        %dma_start3A_64 = arith.constant 0 : i32
        %dma_start3A_65 = tpu.memref_slice %arg22[%add3A_61, %dma_start3A_64] : memref<10000x144xf32, #tpu.memory_space<vmem_shared>> -> memref<80x144xf32, #tpu.memory_space<vmem_shared>>
        tpu.enqueue_dma source(%arg16 : memref<80x144xf32, #tpu.memory_space<vmem>>) target(%dma_start3A_65 : memref<80x144xf32, #tpu.memory_space<vmem_shared>>) target_semaphore(%run_scoped3A : memref<!tpu.dma_semaphore, #tpu.memory_space<semaphore_mem>>)
        %dma_wait3A_66 = arith.constant 0 : i32
        %dma_wait3A_67 = tpu.memref_slice %arg22[%add3A_61, %dma_wait3A_66] : memref<10000x144xf32, #tpu.memory_space<vmem_shared>> -> memref<80x144xf32, #tpu.memory_space<vmem_shared>>
        %dma_wait3A_68 = arith.constant 0 : i32
        %dma_wait3A_69 = tpu.memref_slice %arg22[%add3A_61, %dma_wait3A_68] : memref<10000x144xf32, #tpu.memory_space<vmem_shared>> -> memref<80x144xf32, #tpu.memory_space<vmem_shared>>
        tpu.wait_dma2 semaphore(%run_scoped3A : memref<!tpu.dma_semaphore, #tpu.memory_space<semaphore_mem>>) src(%arg16 : memref<80x144xf32, #tpu.memory_space<vmem>>) dst(%dma_wait3A_69 : memref<80x144xf32, #tpu.memory_space<vmem_shared>>)
        tpu.yield
      }) : () -> ()
    }
    %while3A_18 = arith.constant 0 : i32
    %while3A_19 = arith.constant 0 : i32
    %while3A_20 = arith.subi %select_n3A, %while3A_19 : i32
    %while3A_21 = arith.addi %while3A_19, %while3A_20 : i32
    %while3A_22 = arith.constant 1 : i32
    %while3A_23 = arith.divsi %while3A_20, %while3A_22 : i32
    %while3A_24 = arith.muli %while3A_23, %while3A_22 : i32
    %while3A_25 = arith.addi %while3A_19, %while3A_24 : i32
    %while3A_26 = arith.constant 1 : i32
    scf.for %while3A_56 = %while3A_19 to %while3A_25 step %while3A_26  : i32 {
      %mul3A_57 = arith.constant 640 : i32
      %mul3A_58 = arith.muli %arg1, %mul3A_57 : i32
      %mul3A_59 = arith.constant 80 : i32
      %mul3A_60 = arith.muli %while3A_56, %mul3A_59 : i32
      %add3A_61 = arith.addi %mul3A_58, %mul3A_60 : i32
      "tpu.region"() ({
        %run_scoped3A = tpu.sem_alloc : memref<!tpu.dma_semaphore, #tpu.memory_space<semaphore_mem>>
        %dma_start3A_84 = tpu.memref_slice %arg4[%add3A_61] : memref<10000xi32, #tpu.memory_space<hbm>> -> memref<80xi32, #tpu.memory_space<hbm>>
        %dma_start3A_85 = tpu.memref_slice %arg4[%add3A_61] : memref<10000xi32, #tpu.memory_space<hbm>> -> memref<80xi32, #tpu.memory_space<hbm>>
        tpu.enqueue_dma source(%dma_start3A_85 : memref<80xi32, #tpu.memory_space<hbm>>) target(%arg13 : memref<80xi32, #tpu.memory_space<vmem>>) target_semaphore(%run_scoped3A : memref<!tpu.dma_semaphore, #tpu.memory_space<semaphore_mem>>)
        %dma_wait3A_86 = tpu.memref_slice %arg4[%add3A_61] : memref<10000xi32, #tpu.memory_space<hbm>> -> memref<80xi32, #tpu.memory_space<hbm>>
        %dma_wait3A_87 = tpu.memref_slice %arg4[%add3A_61] : memref<10000xi32, #tpu.memory_space<hbm>> -> memref<80xi32, #tpu.memory_space<hbm>>
        tpu.wait_dma2 semaphore(%run_scoped3A : memref<!tpu.dma_semaphore, #tpu.memory_space<semaphore_mem>>) src(%dma_wait3A_87 : memref<80xi32, #tpu.memory_space<hbm>>) dst(%arg13 : memref<80xi32, #tpu.memory_space<vmem>>)
        tpu.yield
      }) : () -> ()
      %dma_start3A_62 = arith.constant 0 : i32
      %dma_start3A_63 = arith.constant 0 : i32
      %dma_start3A_64 = tpu.memref_slice %arg2[%dma_start3A_62, %dma_start3A_63] : memref<10000x144xf32, #tpu.memory_space<hbm>> -> memref<10000x144xf32, #tpu.memory_space<hbm>>
      tpu.enqueue_indirect_dma source(%dma_start3A_64 : memref<10000x144xf32, #tpu.memory_space<hbm>>) target(%arg16 : memref<80x144xf32, #tpu.memory_space<vmem>>) offsets(%arg13 : memref<80xi32, #tpu.memory_space<vmem>>) semaphore(%arg21 : memref<!tpu.dma_semaphore, #tpu.memory_space<semaphore_mem>>)
      %dma_start3A_65 = arith.constant 0 : i32
      %dma_start3A_66 = arith.constant 0 : i32
      %dma_start3A_67 = tpu.memref_slice %arg3[%dma_start3A_65, %dma_start3A_66] : memref<10000x16xf32, #tpu.memory_space<hbm>> -> memref<10000x16xf32, #tpu.memory_space<hbm>>
      tpu.enqueue_indirect_dma source(%dma_start3A_67 : memref<10000x16xf32, #tpu.memory_space<hbm>>) target(%arg17 : memref<80x16xf32, #tpu.memory_space<vmem>>) offsets(%arg13 : memref<80xi32, #tpu.memory_space<vmem>>) semaphore(%arg21 : memref<!tpu.dma_semaphore, #tpu.memory_space<semaphore_mem>>)
      %dma_wait3A_68 = arith.constant 0 : i32
      %dma_wait3A_69 = arith.constant 0 : i32
      %dma_wait3A_70 = tpu.memref_slice %arg2[%dma_wait3A_68, %dma_wait3A_69] : memref<10000x144xf32, #tpu.memory_space<hbm>> -> memref<10000x144xf32, #tpu.memory_space<hbm>>
      tpu.wait_indirect_dma semaphore(%arg21 : memref<!tpu.dma_semaphore, #tpu.memory_space<semaphore_mem>>) src(%dma_wait3A_70 : memref<10000x144xf32, #tpu.memory_space<hbm>>) dst(%arg16 : memref<80x144xf32, #tpu.memory_space<vmem>>)
      %dma_wait3A_71 = arith.constant 0 : i32
      %dma_wait3A_72 = arith.constant 0 : i32
      %dma_wait3A_73 = tpu.memref_slice %arg3[%dma_wait3A_71, %dma_wait3A_72] : memref<10000x16xf32, #tpu.memory_space<hbm>> -> memref<10000x16xf32, #tpu.memory_space<hbm>>
      tpu.wait_indirect_dma semaphore(%arg21 : memref<!tpu.dma_semaphore, #tpu.memory_space<semaphore_mem>>) src(%dma_wait3A_73 : memref<10000x16xf32, #tpu.memory_space<hbm>>) dst(%arg17 : memref<80x16xf32, #tpu.memory_space<vmem>>)
      %eq3A_74 = arith.constant 0 : i32
      %eq3A_75 = arith.cmpi eq, %arg0, %eq3A_74 : i32
      %convert_element_type3A_76 = arith.extui %eq3A_75 : i1 to i32
      %cond3A_77 = arith.constant 0 : i32
      %cond3A_78 = arith.cmpi ne, %convert_element_type3A_76, %cond3A_77 : i32
      scf.if %cond3A_78 {
        "tpu.region"() ({
          %run_scoped3A = tpu.sem_alloc : memref<!tpu.dma_semaphore, #tpu.memory_space<semaphore_mem>>
          %dma_start3A_84 = arith.constant 0 : i32
          %dma_start3A_85 = tpu.memref_slice %arg9[%add3A_61, %dma_start3A_84] : memref<10000x144xf32, #tpu.memory_space<hbm>> -> memref<80x144xf32, #tpu.memory_space<hbm>>
          %dma_start3A_86 = arith.constant 0 : i32
          %dma_start3A_87 = tpu.memref_slice %arg9[%add3A_61, %dma_start3A_86] : memref<10000x144xf32, #tpu.memory_space<hbm>> -> memref<80x144xf32, #tpu.memory_space<hbm>>
          tpu.enqueue_dma source(%arg16 : memref<80x144xf32, #tpu.memory_space<vmem>>) target(%dma_start3A_87 : memref<80x144xf32, #tpu.memory_space<hbm>>) target_semaphore(%run_scoped3A : memref<!tpu.dma_semaphore, #tpu.memory_space<semaphore_mem>>)
          %dma_wait3A_88 = arith.constant 0 : i32
          %dma_wait3A_89 = tpu.memref_slice %arg9[%add3A_61, %dma_wait3A_88] : memref<10000x144xf32, #tpu.memory_space<hbm>> -> memref<80x144xf32, #tpu.memory_space<hbm>>
          %dma_wait3A_90 = arith.constant 0 : i32
          %dma_wait3A_91 = tpu.memref_slice %arg9[%add3A_61, %dma_wait3A_90] : memref<10000x144xf32, #tpu.memory_space<hbm>> -> memref<80x144xf32, #tpu.memory_space<hbm>>
          tpu.wait_dma2 semaphore(%run_scoped3A : memref<!tpu.dma_semaphore, #tpu.memory_space<semaphore_mem>>) src(%arg16 : memref<80x144xf32, #tpu.memory_space<vmem>>) dst(%dma_wait3A_91 : memref<80x144xf32, #tpu.memory_space<hbm>>)
          tpu.yield
        }) : () -> ()
        "tpu.region"() ({
          %run_scoped3A = tpu.sem_alloc : memref<!tpu.dma_semaphore, #tpu.memory_space<semaphore_mem>>
          %dma_start3A_84 = arith.constant 0 : i32
          %dma_start3A_85 = tpu.memref_slice %arg11[%add3A_61, %dma_start3A_84] : memref<10000x16xf32, #tpu.memory_space<hbm>> -> memref<80x16xf32, #tpu.memory_space<hbm>>
          %dma_start3A_86 = arith.constant 0 : i32
          %dma_start3A_87 = tpu.memref_slice %arg11[%add3A_61, %dma_start3A_86] : memref<10000x16xf32, #tpu.memory_space<hbm>> -> memref<80x16xf32, #tpu.memory_space<hbm>>
          tpu.enqueue_dma source(%arg17 : memref<80x16xf32, #tpu.memory_space<vmem>>) target(%dma_start3A_87 : memref<80x16xf32, #tpu.memory_space<hbm>>) target_semaphore(%run_scoped3A : memref<!tpu.dma_semaphore, #tpu.memory_space<semaphore_mem>>)
          %dma_wait3A_88 = arith.constant 0 : i32
          %dma_wait3A_89 = tpu.memref_slice %arg11[%add3A_61, %dma_wait3A_88] : memref<10000x16xf32, #tpu.memory_space<hbm>> -> memref<80x16xf32, #tpu.memory_space<hbm>>
          %dma_wait3A_90 = arith.constant 0 : i32
          %dma_wait3A_91 = tpu.memref_slice %arg11[%add3A_61, %dma_wait3A_90] : memref<10000x16xf32, #tpu.memory_space<hbm>> -> memref<80x16xf32, #tpu.memory_space<hbm>>
          tpu.wait_dma2 semaphore(%run_scoped3A : memref<!tpu.dma_semaphore, #tpu.memory_space<semaphore_mem>>) src(%arg17 : memref<80x16xf32, #tpu.memory_space<vmem>>) dst(%dma_wait3A_91 : memref<80x16xf32, #tpu.memory_space<hbm>>)
          tpu.yield
        }) : () -> ()
      } else {
      }
      %eq3A_79 = arith.constant 1 : i32
      %eq3A_80 = arith.cmpi eq, %arg0, %eq3A_79 : i32
      %convert_element_type3A_81 = arith.extui %eq3A_80 : i1 to i32
      %cond3A_82 = arith.constant 0 : i32
      %cond3A_83 = arith.cmpi ne, %convert_element_type3A_81, %cond3A_82 : i32
      scf.if %cond3A_83 {
        "tpu.region"() ({
          %run_scoped3A = tpu.sem_alloc : memref<!tpu.dma_semaphore, #tpu.memory_space<semaphore_mem>>
          %dma_start3A_84 = arith.constant 0 : i32
          %dma_start3A_85 = tpu.memref_slice %arg10[%add3A_61, %dma_start3A_84] : memref<10000x144xf32, #tpu.memory_space<hbm>> -> memref<80x144xf32, #tpu.memory_space<hbm>>
          %dma_start3A_86 = arith.constant 0 : i32
          %dma_start3A_87 = tpu.memref_slice %arg10[%add3A_61, %dma_start3A_86] : memref<10000x144xf32, #tpu.memory_space<hbm>> -> memref<80x144xf32, #tpu.memory_space<hbm>>
          tpu.enqueue_dma source(%arg16 : memref<80x144xf32, #tpu.memory_space<vmem>>) target(%dma_start3A_87 : memref<80x144xf32, #tpu.memory_space<hbm>>) target_semaphore(%run_scoped3A : memref<!tpu.dma_semaphore, #tpu.memory_space<semaphore_mem>>)
          %dma_wait3A_88 = arith.constant 0 : i32
          %dma_wait3A_89 = tpu.memref_slice %arg10[%add3A_61, %dma_wait3A_88] : memref<10000x144xf32, #tpu.memory_space<hbm>> -> memref<80x144xf32, #tpu.memory_space<hbm>>
          %dma_wait3A_90 = arith.constant 0 : i32
          %dma_wait3A_91 = tpu.memref_slice %arg10[%add3A_61, %dma_wait3A_90] : memref<10000x144xf32, #tpu.memory_space<hbm>> -> memref<80x144xf32, #tpu.memory_space<hbm>>
          tpu.wait_dma2 semaphore(%run_scoped3A : memref<!tpu.dma_semaphore, #tpu.memory_space<semaphore_mem>>) src(%arg16 : memref<80x144xf32, #tpu.memory_space<vmem>>) dst(%dma_wait3A_91 : memref<80x144xf32, #tpu.memory_space<hbm>>)
          tpu.yield
        }) : () -> ()
        "tpu.region"() ({
          %run_scoped3A = tpu.sem_alloc : memref<!tpu.dma_semaphore, #tpu.memory_space<semaphore_mem>>
          %dma_start3A_84 = arith.constant 0 : i32
          %dma_start3A_85 = tpu.memref_slice %arg12[%add3A_61, %dma_start3A_84] : memref<10000x16xf32, #tpu.memory_space<hbm>> -> memref<80x16xf32, #tpu.memory_space<hbm>>
          %dma_start3A_86 = arith.constant 0 : i32
          %dma_start3A_87 = tpu.memref_slice %arg12[%add3A_61, %dma_start3A_86] : memref<10000x16xf32, #tpu.memory_space<hbm>> -> memref<80x16xf32, #tpu.memory_space<hbm>>
          tpu.enqueue_dma source(%arg17 : memref<80x16xf32, #tpu.memory_space<vmem>>) target(%dma_start3A_87 : memref<80x16xf32, #tpu.memory_space<hbm>>) target_semaphore(%run_scoped3A : memref<!tpu.dma_semaphore, #tpu.memory_space<semaphore_mem>>)
          %dma_wait3A_88 = arith.constant 0 : i32
          %dma_wait3A_89 = tpu.memref_slice %arg12[%add3A_61, %dma_wait3A_88] : memref<10000x16xf32, #tpu.memory_space<hbm>> -> memref<80x16xf32, #tpu.memory_space<hbm>>
          %dma_wait3A_90 = arith.constant 0 : i32
          %dma_wait3A_91 = tpu.memref_slice %arg12[%add3A_61, %dma_wait3A_90] : memref<10000x16xf32, #tpu.memory_space<hbm>> -> memref<80x16xf32, #tpu.memory_space<hbm>>
          tpu.wait_dma2 semaphore(%run_scoped3A : memref<!tpu.dma_semaphore, #tpu.memory_space<semaphore_mem>>) src(%arg17 : memref<80x16xf32, #tpu.memory_space<vmem>>) dst(%dma_wait3A_91 : memref<80x16xf32, #tpu.memory_space<hbm>>)
          tpu.yield
        }) : () -> ()
      } else {
      }
    }
    %while3A_27 = arith.constant 1 : i32
    scf.for %while3A_56 = %while3A_25 to %while3A_21 step %while3A_27  : i32 {
      %mul3A_57 = arith.constant 640 : i32
      %mul3A_58 = arith.muli %arg1, %mul3A_57 : i32
      %mul3A_59 = arith.constant 80 : i32
      %mul3A_60 = arith.muli %while3A_56, %mul3A_59 : i32
      %add3A_61 = arith.addi %mul3A_58, %mul3A_60 : i32
      "tpu.region"() ({
        %run_scoped3A = tpu.sem_alloc : memref<!tpu.dma_semaphore, #tpu.memory_space<semaphore_mem>>
        %dma_start3A_84 = tpu.memref_slice %arg4[%add3A_61] : memref<10000xi32, #tpu.memory_space<hbm>> -> memref<80xi32, #tpu.memory_space<hbm>>
        %dma_start3A_85 = tpu.memref_slice %arg4[%add3A_61] : memref<10000xi32, #tpu.memory_space<hbm>> -> memref<80xi32, #tpu.memory_space<hbm>>
        tpu.enqueue_dma source(%dma_start3A_85 : memref<80xi32, #tpu.memory_space<hbm>>) target(%arg13 : memref<80xi32, #tpu.memory_space<vmem>>) target_semaphore(%run_scoped3A : memref<!tpu.dma_semaphore, #tpu.memory_space<semaphore_mem>>)
        %dma_wait3A_86 = tpu.memref_slice %arg4[%add3A_61] : memref<10000xi32, #tpu.memory_space<hbm>> -> memref<80xi32, #tpu.memory_space<hbm>>
        %dma_wait3A_87 = tpu.memref_slice %arg4[%add3A_61] : memref<10000xi32, #tpu.memory_space<hbm>> -> memref<80xi32, #tpu.memory_space<hbm>>
        tpu.wait_dma2 semaphore(%run_scoped3A : memref<!tpu.dma_semaphore, #tpu.memory_space<semaphore_mem>>) src(%dma_wait3A_87 : memref<80xi32, #tpu.memory_space<hbm>>) dst(%arg13 : memref<80xi32, #tpu.memory_space<vmem>>)
        tpu.yield
      }) : () -> ()
      %dma_start3A_62 = arith.constant 0 : i32
      %dma_start3A_63 = arith.constant 0 : i32
      %dma_start3A_64 = tpu.memref_slice %arg2[%dma_start3A_62, %dma_start3A_63] : memref<10000x144xf32, #tpu.memory_space<hbm>> -> memref<10000x144xf32, #tpu.memory_space<hbm>>
      tpu.enqueue_indirect_dma source(%dma_start3A_64 : memref<10000x144xf32, #tpu.memory_space<hbm>>) target(%arg16 : memref<80x144xf32, #tpu.memory_space<vmem>>) offsets(%arg13 : memref<80xi32, #tpu.memory_space<vmem>>) semaphore(%arg21 : memref<!tpu.dma_semaphore, #tpu.memory_space<semaphore_mem>>)
      %dma_start3A_65 = arith.constant 0 : i32
      %dma_start3A_66 = arith.constant 0 : i32
      %dma_start3A_67 = tpu.memref_slice %arg3[%dma_start3A_65, %dma_start3A_66] : memref<10000x16xf32, #tpu.memory_space<hbm>> -> memref<10000x16xf32, #tpu.memory_space<hbm>>
      tpu.enqueue_indirect_dma source(%dma_start3A_67 : memref<10000x16xf32, #tpu.memory_space<hbm>>) target(%arg17 : memref<80x16xf32, #tpu.memory_space<vmem>>) offsets(%arg13 : memref<80xi32, #tpu.memory_space<vmem>>) semaphore(%arg21 : memref<!tpu.dma_semaphore, #tpu.memory_space<semaphore_mem>>)
      %dma_wait3A_68 = arith.constant 0 : i32
      %dma_wait3A_69 = arith.constant 0 : i32
      %dma_wait3A_70 = tpu.memref_slice %arg2[%dma_wait3A_68, %dma_wait3A_69] : memref<10000x144xf32, #tpu.memory_space<hbm>> -> memref<10000x144xf32, #tpu.memory_space<hbm>>
      tpu.wait_indirect_dma semaphore(%arg21 : memref<!tpu.dma_semaphore, #tpu.memory_space<semaphore_mem>>) src(%dma_wait3A_70 : memref<10000x144xf32, #tpu.memory_space<hbm>>) dst(%arg16 : memref<80x144xf32, #tpu.memory_space<vmem>>)
      %dma_wait3A_71 = arith.constant 0 : i32
      %dma_wait3A_72 = arith.constant 0 : i32
      %dma_wait3A_73 = tpu.memref_slice %arg3[%dma_wait3A_71, %dma_wait3A_72] : memref<10000x16xf32, #tpu.memory_space<hbm>> -> memref<10000x16xf32, #tpu.memory_space<hbm>>
      tpu.wait_indirect_dma semaphore(%arg21 : memref<!tpu.dma_semaphore, #tpu.memory_space<semaphore_mem>>) src(%dma_wait3A_73 : memref<10000x16xf32, #tpu.memory_space<hbm>>) dst(%arg17 : memref<80x16xf32, #tpu.memory_space<vmem>>)
      %eq3A_74 = arith.constant 0 : i32
      %eq3A_75 = arith.cmpi eq, %arg0, %eq3A_74 : i32
      %convert_element_type3A_76 = arith.extui %eq3A_75 : i1 to i32
      %cond3A_77 = arith.constant 0 : i32
      %cond3A_78 = arith.cmpi ne, %convert_element_type3A_76, %cond3A_77 : i32
      scf.if %cond3A_78 {
        "tpu.region"() ({
          %run_scoped3A = tpu.sem_alloc : memref<!tpu.dma_semaphore, #tpu.memory_space<semaphore_mem>>
          %dma_start3A_84 = arith.constant 0 : i32
          %dma_start3A_85 = tpu.memref_slice %arg9[%add3A_61, %dma_start3A_84] : memref<10000x144xf32, #tpu.memory_space<hbm>> -> memref<80x144xf32, #tpu.memory_space<hbm>>
          %dma_start3A_86 = arith.constant 0 : i32
          %dma_start3A_87 = tpu.memref_slice %arg9[%add3A_61, %dma_start3A_86] : memref<10000x144xf32, #tpu.memory_space<hbm>> -> memref<80x144xf32, #tpu.memory_space<hbm>>
          tpu.enqueue_dma source(%arg16 : memref<80x144xf32, #tpu.memory_space<vmem>>) target(%dma_start3A_87 : memref<80x144xf32, #tpu.memory_space<hbm>>) target_semaphore(%run_scoped3A : memref<!tpu.dma_semaphore, #tpu.memory_space<semaphore_mem>>)
          %dma_wait3A_88 = arith.constant 0 : i32
          %dma_wait3A_89 = tpu.memref_slice %arg9[%add3A_61, %dma_wait3A_88] : memref<10000x144xf32, #tpu.memory_space<hbm>> -> memref<80x144xf32, #tpu.memory_space<hbm>>
          %dma_wait3A_90 = arith.constant 0 : i32
          %dma_wait3A_91 = tpu.memref_slice %arg9[%add3A_61, %dma_wait3A_90] : memref<10000x144xf32, #tpu.memory_space<hbm>> -> memref<80x144xf32, #tpu.memory_space<hbm>>
          tpu.wait_dma2 semaphore(%run_scoped3A : memref<!tpu.dma_semaphore, #tpu.memory_space<semaphore_mem>>) src(%arg16 : memref<80x144xf32, #tpu.memory_space<vmem>>) dst(%dma_wait3A_91 : memref<80x144xf32, #tpu.memory_space<hbm>>)
          tpu.yield
        }) : () -> ()
        "tpu.region"() ({
          %run_scoped3A = tpu.sem_alloc : memref<!tpu.dma_semaphore, #tpu.memory_space<semaphore_mem>>
          %dma_start3A_84 = arith.constant 0 : i32
          %dma_start3A_85 = tpu.memref_slice %arg11[%add3A_61, %dma_start3A_84] : memref<10000x16xf32, #tpu.memory_space<hbm>> -> memref<80x16xf32, #tpu.memory_space<hbm>>
          %dma_start3A_86 = arith.constant 0 : i32
          %dma_start3A_87 = tpu.memref_slice %arg11[%add3A_61, %dma_start3A_86] : memref<10000x16xf32, #tpu.memory_space<hbm>> -> memref<80x16xf32, #tpu.memory_space<hbm>>
          tpu.enqueue_dma source(%arg17 : memref<80x16xf32, #tpu.memory_space<vmem>>) target(%dma_start3A_87 : memref<80x16xf32, #tpu.memory_space<hbm>>) target_semaphore(%run_scoped3A : memref<!tpu.dma_semaphore, #tpu.memory_space<semaphore_mem>>)
          %dma_wait3A_88 = arith.constant 0 : i32
          %dma_wait3A_89 = tpu.memref_slice %arg11[%add3A_61, %dma_wait3A_88] : memref<10000x16xf32, #tpu.memory_space<hbm>> -> memref<80x16xf32, #tpu.memory_space<hbm>>
          %dma_wait3A_90 = arith.constant 0 : i32
          %dma_wait3A_91 = tpu.memref_slice %arg11[%add3A_61, %dma_wait3A_90] : memref<10000x16xf32, #tpu.memory_space<hbm>> -> memref<80x16xf32, #tpu.memory_space<hbm>>
          tpu.wait_dma2 semaphore(%run_scoped3A : memref<!tpu.dma_semaphore, #tpu.memory_space<semaphore_mem>>) src(%arg17 : memref<80x16xf32, #tpu.memory_space<vmem>>) dst(%dma_wait3A_91 : memref<80x16xf32, #tpu.memory_space<hbm>>)
          tpu.yield
        }) : () -> ()
      } else {
      }
      %eq3A_79 = arith.constant 1 : i32
      %eq3A_80 = arith.cmpi eq, %arg0, %eq3A_79 : i32
      %convert_element_type3A_81 = arith.extui %eq3A_80 : i1 to i32
      %cond3A_82 = arith.constant 0 : i32
      %cond3A_83 = arith.cmpi ne, %convert_element_type3A_81, %cond3A_82 : i32
      scf.if %cond3A_83 {
        "tpu.region"() ({
          %run_scoped3A = tpu.sem_alloc : memref<!tpu.dma_semaphore, #tpu.memory_space<semaphore_mem>>
          %dma_start3A_84 = arith.constant 0 : i32
          %dma_start3A_85 = tpu.memref_slice %arg10[%add3A_61, %dma_start3A_84] : memref<10000x144xf32, #tpu.memory_space<hbm>> -> memref<80x144xf32, #tpu.memory_space<hbm>>
          %dma_start3A_86 = arith.constant 0 : i32
          %dma_start3A_87 = tpu.memref_slice %arg10[%add3A_61, %dma_start3A_86] : memref<10000x144xf32, #tpu.memory_space<hbm>> -> memref<80x144xf32, #tpu.memory_space<hbm>>
          tpu.enqueue_dma source(%arg16 : memref<80x144xf32, #tpu.memory_space<vmem>>) target(%dma_start3A_87 : memref<80x144xf32, #tpu.memory_space<hbm>>) target_semaphore(%run_scoped3A : memref<!tpu.dma_semaphore, #tpu.memory_space<semaphore_mem>>)
          %dma_wait3A_88 = arith.constant 0 : i32
          %dma_wait3A_89 = tpu.memref_slice %arg10[%add3A_61, %dma_wait3A_88] : memref<10000x144xf32, #tpu.memory_space<hbm>> -> memref<80x144xf32, #tpu.memory_space<hbm>>
          %dma_wait3A_90 = arith.constant 0 : i32
          %dma_wait3A_91 = tpu.memref_slice %arg10[%add3A_61, %dma_wait3A_90] : memref<10000x144xf32, #tpu.memory_space<hbm>> -> memref<80x144xf32, #tpu.memory_space<hbm>>
          tpu.wait_dma2 semaphore(%run_scoped3A : memref<!tpu.dma_semaphore, #tpu.memory_space<semaphore_mem>>) src(%arg16 : memref<80x144xf32, #tpu.memory_space<vmem>>) dst(%dma_wait3A_91 : memref<80x144xf32, #tpu.memory_space<hbm>>)
          tpu.yield
        }) : () -> ()
        "tpu.region"() ({
          %run_scoped3A = tpu.sem_alloc : memref<!tpu.dma_semaphore, #tpu.memory_space<semaphore_mem>>
          %dma_start3A_84 = arith.constant 0 : i32
          %dma_start3A_85 = tpu.memref_slice %arg12[%add3A_61, %dma_start3A_84] : memref<10000x16xf32, #tpu.memory_space<hbm>> -> memref<80x16xf32, #tpu.memory_space<hbm>>
          %dma_start3A_86 = arith.constant 0 : i32
          %dma_start3A_87 = tpu.memref_slice %arg12[%add3A_61, %dma_start3A_86] : memref<10000x16xf32, #tpu.memory_space<hbm>> -> memref<80x16xf32, #tpu.memory_space<hbm>>
          tpu.enqueue_dma source(%arg17 : memref<80x16xf32, #tpu.memory_space<vmem>>) target(%dma_start3A_87 : memref<80x16xf32, #tpu.memory_space<hbm>>) target_semaphore(%run_scoped3A : memref<!tpu.dma_semaphore, #tpu.memory_space<semaphore_mem>>)
          %dma_wait3A_88 = arith.constant 0 : i32
          %dma_wait3A_89 = tpu.memref_slice %arg12[%add3A_61, %dma_wait3A_88] : memref<10000x16xf32, #tpu.memory_space<hbm>> -> memref<80x16xf32, #tpu.memory_space<hbm>>
          %dma_wait3A_90 = arith.constant 0 : i32
          %dma_wait3A_91 = tpu.memref_slice %arg12[%add3A_61, %dma_wait3A_90] : memref<10000x16xf32, #tpu.memory_space<hbm>> -> memref<80x16xf32, #tpu.memory_space<hbm>>
          tpu.wait_dma2 semaphore(%run_scoped3A : memref<!tpu.dma_semaphore, #tpu.memory_space<semaphore_mem>>) src(%arg17 : memref<80x16xf32, #tpu.memory_space<vmem>>) dst(%dma_wait3A_91 : memref<80x16xf32, #tpu.memory_space<hbm>>)
          tpu.yield
        }) : () -> ()
      } else {
      }
    }
    %mul3A_28 = arith.constant 10000 : i32
    %mul3A_29 = arith.muli %add3A, %mul3A_28 : i32
    %dma_start3A = tpu.memref_slice %arg5[%mul3A_29] : memref<320000xi32, #tpu.memory_space<hbm>> -> memref<10000xi32, #tpu.memory_space<hbm>>
    %dma_start3A_30 = tpu.memref_slice %arg5[%mul3A_29] : memref<320000xi32, #tpu.memory_space<hbm>> -> memref<10000xi32, #tpu.memory_space<hbm>>
    tpu.enqueue_dma source(%dma_start3A_30 : memref<10000xi32, #tpu.memory_space<hbm>>) target(%arg19 : memref<10000xi32, #tpu.memory_space<vmem>>) target_semaphore(%arg21 : memref<!tpu.dma_semaphore, #tpu.memory_space<semaphore_mem>>)
    %mul3A_31 = arith.constant 10000 : i32
    %mul3A_32 = arith.muli %add3A, %mul3A_31 : i32
    %dma_start3A_33 = tpu.memref_slice %arg6[%mul3A_32] : memref<320000xi32, #tpu.memory_space<hbm>> -> memref<10000xi32, #tpu.memory_space<hbm>>
    %dma_start3A_34 = tpu.memref_slice %arg6[%mul3A_32] : memref<320000xi32, #tpu.memory_space<hbm>> -> memref<10000xi32, #tpu.memory_space<hbm>>
    tpu.enqueue_dma source(%dma_start3A_34 : memref<10000xi32, #tpu.memory_space<hbm>>) target(%arg20 : memref<10000xi32, #tpu.memory_space<vmem>>) target_semaphore(%arg21 : memref<!tpu.dma_semaphore, #tpu.memory_space<semaphore_mem>>)
    %dma_wait3A = tpu.memref_slice %arg5[%mul3A_29] : memref<320000xi32, #tpu.memory_space<hbm>> -> memref<10000xi32, #tpu.memory_space<hbm>>
    %dma_wait3A_35 = tpu.memref_slice %arg5[%mul3A_29] : memref<320000xi32, #tpu.memory_space<hbm>> -> memref<10000xi32, #tpu.memory_space<hbm>>
    tpu.wait_dma2 semaphore(%arg21 : memref<!tpu.dma_semaphore, #tpu.memory_space<semaphore_mem>>) src(%dma_wait3A_35 : memref<10000xi32, #tpu.memory_space<hbm>>) dst(%arg19 : memref<10000xi32, #tpu.memory_space<vmem>>)
    %dma_wait3A_36 = tpu.memref_slice %arg6[%mul3A_32] : memref<320000xi32, #tpu.memory_space<hbm>> -> memref<10000xi32, #tpu.memory_space<hbm>>
    %dma_wait3A_37 = tpu.memref_slice %arg6[%mul3A_32] : memref<320000xi32, #tpu.memory_space<hbm>> -> memref<10000xi32, #tpu.memory_space<hbm>>
    tpu.wait_dma2 semaphore(%arg21 : memref<!tpu.dma_semaphore, #tpu.memory_space<semaphore_mem>>) src(%dma_wait3A_37 : memref<10000xi32, #tpu.memory_space<hbm>>) dst(%arg20 : memref<10000xi32, #tpu.memory_space<vmem>>)
    %barrier3A = arith.constant 0 : index
    tpu.barrier barrier_id(%barrier3A)
    %get3A = arith.constant 0 : index
    %get3A_38 = tpu.vector_load %arg18[%get3A] {strides = array<i32>} : memref<16xf32, #tpu.memory_space<vmem>>, vector<16xf32>,
    %iota3A = tpu.iota {dimensions = array<i32: 0>} : vector<16xi32>
    %mul3A_39 = arith.constant 0 : i32
    %mul3A_40 = vector.broadcast %mul3A_39 : i32 to vector<16xi32>
    %mul3A_41 = arith.muli %iota3A, %mul3A_40 : vector<16xi32>
    %scan3A_42 = arith.constant 0 : i32
    %scan3A_43 = arith.constant 0 : i32
    %scan3A_44 = arith.constant 125 : i32
    %scan3A_45 = arith.addi %scan3A_43, %scan3A_44 : i32
    %scan3A_46 = arith.constant 1 : i32
    scf.for %scan3A_56 = %scan3A_43 to %scan3A_45 step %scan3A_46  : i32 {
      %mul3A_57 = arith.constant 80 : i32
      %mul3A_58 = arith.muli %scan3A_56, %mul3A_57 : i32
      %mul3A_59 = arith.constant 80 : i32
      %mul3A_60 = arith.muli %scan3A_56, %mul3A_59 : i32
      %mul3A_61 = arith.constant 10000 : i32
      %mul3A_62 = arith.muli %add3A, %mul3A_61 : i32
      %mul3A_63 = arith.constant 80 : i32
      %mul3A_64 = arith.muli %scan3A_56, %mul3A_63 : i32
      %add3A_65 = arith.addi %mul3A_62, %mul3A_64 : i32
      %dma_start3A_66 = tpu.memref_slice %arg6[%add3A_65] : memref<320000xi32, #tpu.memory_space<hbm>> -> memref<80xi32, #tpu.memory_space<hbm>>
      %dma_start3A_67 = tpu.memref_slice %arg6[%add3A_65] : memref<320000xi32, #tpu.memory_space<hbm>> -> memref<80xi32, #tpu.memory_space<hbm>>
      tpu.enqueue_dma source(%dma_start3A_67 : memref<80xi32, #tpu.memory_space<hbm>>) target(%arg14 : memref<80xi32, #tpu.memory_space<vmem>>) target_semaphore(%arg21 : memref<!tpu.dma_semaphore, #tpu.memory_space<semaphore_mem>>)
      %eq3A_68 = arith.constant 0 : i32
      %eq3A_69 = arith.cmpi eq, %arg0, %eq3A_68 : i32
      %convert_element_type3A_70 = arith.extui %eq3A_69 : i1 to i32
      %cond3A_71 = arith.constant 0 : i32
      %cond3A_72 = arith.cmpi ne, %convert_element_type3A_70, %cond3A_71 : i32
      scf.if %cond3A_72 {
        %dma_start3A_192 = tpu.memref_slice %arg20[%mul3A_60] : memref<10000xi32, #tpu.memory_space<vmem>> -> memref<80xi32, #tpu.memory_space<vmem>>
        %dma_start3A_193 = arith.constant 0 : i32
        %dma_start3A_194 = arith.constant 0 : i32
        %dma_start3A_195 = tpu.memref_slice %arg11[%dma_start3A_193, %dma_start3A_194] : memref<10000x16xf32, #tpu.memory_space<hbm>> -> memref<10000x16xf32, #tpu.memory_space<hbm>>
        tpu.enqueue_indirect_dma source(%dma_start3A_195 : memref<10000x16xf32, #tpu.memory_space<hbm>>) target(%arg17 : memref<80x16xf32, #tpu.memory_space<vmem>>) offsets(%dma_start3A_192 : memref<80xi32, #tpu.memory_space<vmem>>) semaphore(%arg21 : memref<!tpu.dma_semaphore, #tpu.memory_space<semaphore_mem>>)
        %dma_start3A_196 = tpu.memref_slice %arg19[%mul3A_58] : memref<10000xi32, #tpu.memory_space<vmem>> -> memref<80xi32, #tpu.memory_space<vmem>>
        %dma_start3A_197 = arith.constant 0 : i32
        %dma_start3A_198 = arith.constant 0 : i32
        %dma_start3A_199 = tpu.memref_slice %arg9[%dma_start3A_197, %dma_start3A_198] : memref<10000x144xf32, #tpu.memory_space<hbm>> -> memref<10000x144xf32, #tpu.memory_space<hbm>>
        tpu.enqueue_indirect_dma source(%dma_start3A_199 : memref<10000x144xf32, #tpu.memory_space<hbm>>) target(%arg16 : memref<80x144xf32, #tpu.memory_space<vmem>>) offsets(%dma_start3A_196 : memref<80xi32, #tpu.memory_space<vmem>>) semaphore(%arg21 : memref<!tpu.dma_semaphore, #tpu.memory_space<semaphore_mem>>)
        %dma_wait3A_200 = tpu.memref_slice %arg20[%mul3A_60] : memref<10000xi32, #tpu.memory_space<vmem>> -> memref<80xi32, #tpu.memory_space<vmem>>
        %dma_wait3A_201 = arith.constant 0 : i32
        %dma_wait3A_202 = arith.constant 0 : i32
        %dma_wait3A_203 = tpu.memref_slice %arg11[%dma_wait3A_201, %dma_wait3A_202] : memref<10000x16xf32, #tpu.memory_space<hbm>> -> memref<10000x16xf32, #tpu.memory_space<hbm>>
        tpu.wait_indirect_dma semaphore(%arg21 : memref<!tpu.dma_semaphore, #tpu.memory_space<semaphore_mem>>) src(%dma_wait3A_203 : memref<10000x16xf32, #tpu.memory_space<hbm>>) dst(%arg17 : memref<80x16xf32, #tpu.memory_space<vmem>>)
        %dma_wait3A_204 = tpu.memref_slice %arg19[%mul3A_58] : memref<10000xi32, #tpu.memory_space<vmem>> -> memref<80xi32, #tpu.memory_space<vmem>>
        %dma_wait3A_205 = arith.constant 0 : i32
        %dma_wait3A_206 = arith.constant 0 : i32
        %dma_wait3A_207 = tpu.memref_slice %arg9[%dma_wait3A_205, %dma_wait3A_206] : memref<10000x144xf32, #tpu.memory_space<hbm>> -> memref<10000x144xf32, #tpu.memory_space<hbm>>
        tpu.wait_indirect_dma semaphore(%arg21 : memref<!tpu.dma_semaphore, #tpu.memory_space<semaphore_mem>>) src(%dma_wait3A_207 : memref<10000x144xf32, #tpu.memory_space<hbm>>) dst(%arg16 : memref<80x144xf32, #tpu.memory_space<vmem>>)
      } else {
      }
      %eq3A_73 = arith.constant 1 : i32
      %eq3A_74 = arith.cmpi eq, %arg0, %eq3A_73 : i32
      %convert_element_type3A_75 = arith.extui %eq3A_74 : i1 to i32
      %cond3A_76 = arith.constant 0 : i32
      %cond3A_77 = arith.cmpi ne, %convert_element_type3A_75, %cond3A_76 : i32
      scf.if %cond3A_77 {
        %dma_start3A_192 = tpu.memref_slice %arg20[%mul3A_60] : memref<10000xi32, #tpu.memory_space<vmem>> -> memref<80xi32, #tpu.memory_space<vmem>>
        %dma_start3A_193 = arith.constant 0 : i32
        %dma_start3A_194 = arith.constant 0 : i32
        %dma_start3A_195 = tpu.memref_slice %arg12[%dma_start3A_193, %dma_start3A_194] : memref<10000x16xf32, #tpu.memory_space<hbm>> -> memref<10000x16xf32, #tpu.memory_space<hbm>>
        tpu.enqueue_indirect_dma source(%dma_start3A_195 : memref<10000x16xf32, #tpu.memory_space<hbm>>) target(%arg17 : memref<80x16xf32, #tpu.memory_space<vmem>>) offsets(%dma_start3A_192 : memref<80xi32, #tpu.memory_space<vmem>>) semaphore(%arg21 : memref<!tpu.dma_semaphore, #tpu.memory_space<semaphore_mem>>)
        %dma_start3A_196 = tpu.memref_slice %arg19[%mul3A_58] : memref<10000xi32, #tpu.memory_space<vmem>> -> memref<80xi32, #tpu.memory_space<vmem>>
        %dma_start3A_197 = arith.constant 0 : i32
        %dma_start3A_198 = arith.constant 0 : i32
        %dma_start3A_199 = tpu.memref_slice %arg10[%dma_start3A_197, %dma_start3A_198] : memref<10000x144xf32, #tpu.memory_space<hbm>> -> memref<10000x144xf32, #tpu.memory_space<hbm>>
        tpu.enqueue_indirect_dma source(%dma_start3A_199 : memref<10000x144xf32, #tpu.memory_space<hbm>>) target(%arg16 : memref<80x144xf32, #tpu.memory_space<vmem>>) offsets(%dma_start3A_196 : memref<80xi32, #tpu.memory_space<vmem>>) semaphore(%arg21 : memref<!tpu.dma_semaphore, #tpu.memory_space<semaphore_mem>>)
        %dma_wait3A_200 = tpu.memref_slice %arg20[%mul3A_60] : memref<10000xi32, #tpu.memory_space<vmem>> -> memref<80xi32, #tpu.memory_space<vmem>>
        %dma_wait3A_201 = arith.constant 0 : i32
        %dma_wait3A_202 = arith.constant 0 : i32
        %dma_wait3A_203 = tpu.memref_slice %arg12[%dma_wait3A_201, %dma_wait3A_202] : memref<10000x16xf32, #tpu.memory_space<hbm>> -> memref<10000x16xf32, #tpu.memory_space<hbm>>
        tpu.wait_indirect_dma semaphore(%arg21 : memref<!tpu.dma_semaphore, #tpu.memory_space<semaphore_mem>>) src(%dma_wait3A_203 : memref<10000x16xf32, #tpu.memory_space<hbm>>) dst(%arg17 : memref<80x16xf32, #tpu.memory_space<vmem>>)
        %dma_wait3A_204 = tpu.memref_slice %arg19[%mul3A_58] : memref<10000xi32, #tpu.memory_space<vmem>> -> memref<80xi32, #tpu.memory_space<vmem>>
        %dma_wait3A_205 = arith.constant 0 : i32
        %dma_wait3A_206 = arith.constant 0 : i32
        %dma_wait3A_207 = tpu.memref_slice %arg10[%dma_wait3A_205, %dma_wait3A_206] : memref<10000x144xf32, #tpu.memory_space<hbm>> -> memref<10000x144xf32, #tpu.memory_space<hbm>>
        tpu.wait_indirect_dma semaphore(%arg21 : memref<!tpu.dma_semaphore, #tpu.memory_space<semaphore_mem>>) src(%dma_wait3A_207 : memref<10000x144xf32, #tpu.memory_space<hbm>>) dst(%arg16 : memref<80x144xf32, #tpu.memory_space<vmem>>)
      } else {
      }
      %dma_wait3A_78 = tpu.memref_slice %arg6[%add3A_65] : memref<320000xi32, #tpu.memory_space<hbm>> -> memref<80xi32, #tpu.memory_space<hbm>>
      %dma_wait3A_79 = tpu.memref_slice %arg6[%add3A_65] : memref<320000xi32, #tpu.memory_space<hbm>> -> memref<80xi32, #tpu.memory_space<hbm>>
      tpu.wait_dma2 semaphore(%arg21 : memref<!tpu.dma_semaphore, #tpu.memory_space<semaphore_mem>>) src(%dma_wait3A_79 : memref<80xi32, #tpu.memory_space<hbm>>) dst(%arg14 : memref<80xi32, #tpu.memory_space<vmem>>)
      %iota3A_80 = tpu.iota {dimensions = array<i32: 0>} : vector<16xi32>
      %add3A_81 = arith.constant 0 : i32
      %add3A_82 = vector.broadcast %add3A_81 : i32 to vector<16xi32>
      %add3A_83 = arith.addi %iota3A_80, %add3A_82 : vector<16xi32>
      %add3A_84 = arith.constant 128 : i32
      %add3A_85 = vector.broadcast %add3A_84 : i32 to vector<16xi32>
      %add3A_86 = arith.addi %mul3A_41, %add3A_85 : vector<16xi32>
      %gather3A = tpu.vector_load_idx %arg16[%add3A_83, %add3A_86] : memref<80x144xf32, #tpu.memory_space<vmem>>[vector<16xi32>, vector<16xi32>], vector<16xf32>,
      %gather3A_87 = tpu.vector_load_idx %arg17[%add3A_83, %mul3A_41] : memref<80x16xf32, #tpu.memory_space<vmem>>[vector<16xi32>, vector<16xi32>], vector<16xf32>,
      %add3A_88 = arith.addf %gather3A, %gather3A_87 : vector<16xf32>
      %gt3A = arith.constant 0.000000e+00 : f32
      %gt3A_89 = vector.broadcast %gt3A : f32 to vector<16xf32>
      %gt3A_90 = arith.cmpf ogt, %add3A_88, %gt3A_89 : vector<16xf32>
      %mul3A_91 = arith.constant 2.000000e-01 : f32
      %mul3A_92 = vector.broadcast %mul3A_91 : f32 to vector<16xf32>
      %mul3A_93 = arith.mulf %add3A_88, %mul3A_92 : vector<16xf32>
      %select_n3A_94 = arith.select %gt3A_90, %add3A_88, %mul3A_93 : vector<16xi1>, vector<16xf32>
      %sub3A = arith.subf %select_n3A_94, %get3A_38 : vector<16xf32>
      %exp3A = math.exp %sub3A : vector<16xf32>
      %swap3A = arith.constant 0 : index
      %swap3A_95 = tpu.vector_load %arg15[%swap3A] {strides = array<i32>} : memref<80xf32, #tpu.memory_space<vmem>>, vector<16xf32>,
      tpu.vector_store %arg15[%swap3A], %exp3A {strides = array<i32>} : memref<80xf32, #tpu.memory_space<vmem>>, vector<16xf32>,
      %iota3A_96 = tpu.iota {dimensions = array<i32: 0>} : vector<16xi32>
      %add3A_97 = arith.constant 16 : i32
      %add3A_98 = vector.broadcast %add3A_97 : i32 to vector<16xi32>
      %add3A_99 = arith.addi %iota3A_96, %add3A_98 : vector<16xi32>
      %add3A_100 = arith.constant 128 : i32
      %add3A_101 = vector.broadcast %add3A_100 : i32 to vector<16xi32>
      %add3A_102 = arith.addi %mul3A_41, %add3A_101 : vector<16xi32>
      %gather3A_103 = tpu.vector_load_idx %arg16[%add3A_99, %add3A_102] : memref<80x144xf32, #tpu.memory_space<vmem>>[vector<16xi32>, vector<16xi32>], vector<16xf32>,
      %gather3A_104 = tpu.vector_load_idx %arg17[%add3A_99, %mul3A_41] : memref<80x16xf32, #tpu.memory_space<vmem>>[vector<16xi32>, vector<16xi32>], vector<16xf32>,
      %add3A_105 = arith.addf %gather3A_103, %gather3A_104 : vector<16xf32>
      %gt3A_106 = arith.constant 0.000000e+00 : f32
      %gt3A_107 = vector.broadcast %gt3A_106 : f32 to vector<16xf32>
      %gt3A_108 = arith.cmpf ogt, %add3A_105, %gt3A_107 : vector<16xf32>
      %mul3A_109 = arith.constant 2.000000e-01 : f32
      %mul3A_110 = vector.broadcast %mul3A_109 : f32 to vector<16xf32>
      %mul3A_111 = arith.mulf %add3A_105, %mul3A_110 : vector<16xf32>
      %select_n3A_112 = arith.select %gt3A_108, %add3A_105, %mul3A_111 : vector<16xi1>, vector<16xf32>
      %sub3A_113 = arith.subf %select_n3A_112, %get3A_38 : vector<16xf32>
      %exp3A_114 = math.exp %sub3A_113 : vector<16xf32>
      %swap3A_115 = arith.constant 16 : index
      %swap3A_116 = tpu.vector_load %arg15[%swap3A_115] {strides = array<i32>} : memref<80xf32, #tpu.memory_space<vmem>>, vector<16xf32>,
      tpu.vector_store %arg15[%swap3A_115], %exp3A_114 {strides = array<i32>} : memref<80xf32, #tpu.memory_space<vmem>>, vector<16xf32>,
      %iota3A_117 = tpu.iota {dimensions = array<i32: 0>} : vector<16xi32>
      %add3A_118 = arith.constant 32 : i32
      %add3A_119 = vector.broadcast %add3A_118 : i32 to vector<16xi32>
      %add3A_120 = arith.addi %iota3A_117, %add3A_119 : vector<16xi32>
      %add3A_121 = arith.constant 128 : i32
      %add3A_122 = vector.broadcast %add3A_121 : i32 to vector<16xi32>
      %add3A_123 = arith.addi %mul3A_41, %add3A_122 : vector<16xi32>
      %gather3A_124 = tpu.vector_load_idx %arg16[%add3A_120, %add3A_123] : memref<80x144xf32, #tpu.memory_space<vmem>>[vector<16xi32>, vector<16xi32>], vector<16xf32>,
      %gather3A_125 = tpu.vector_load_idx %arg17[%add3A_120, %mul3A_41] : memref<80x16xf32, #tpu.memory_space<vmem>>[vector<16xi32>, vector<16xi32>], vector<16xf32>,
      %add3A_126 = arith.addf %gather3A_124, %gather3A_125 : vector<16xf32>
      %gt3A_127 = arith.constant 0.000000e+00 : f32
      %gt3A_128 = vector.broadcast %gt3A_127 : f32 to vector<16xf32>
      %gt3A_129 = arith.cmpf ogt, %add3A_126, %gt3A_128 : vector<16xf32>
      %mul3A_130 = arith.constant 2.000000e-01 : f32
      %mul3A_131 = vector.broadcast %mul3A_130 : f32 to vector<16xf32>
      %mul3A_132 = arith.mulf %add3A_126, %mul3A_131 : vector<16xf32>
      %select_n3A_133 = arith.select %gt3A_129, %add3A_126, %mul3A_132 : vector<16xi1>, vector<16xf32>
      %sub3A_134 = arith.subf %select_n3A_133, %get3A_38 : vector<16xf32>
      %exp3A_135 = math.exp %sub3A_134 : vector<16xf32>
      %swap3A_136 = arith.constant 32 : index
      %swap3A_137 = tpu.vector_load %arg15[%swap3A_136] {strides = array<i32>} : memref<80xf32, #tpu.memory_space<vmem>>, vector<16xf32>,
      tpu.vector_store %arg15[%swap3A_136], %exp3A_135 {strides = array<i32>} : memref<80xf32, #tpu.memory_space<vmem>>, vector<16xf32>,
      %iota3A_138 = tpu.iota {dimensions = array<i32: 0>} : vector<16xi32>
      %add3A_139 = arith.constant 48 : i32
      %add3A_140 = vector.broadcast %add3A_139 : i32 to vector<16xi32>
      %add3A_141 = arith.addi %iota3A_138, %add3A_140 : vector<16xi32>
      %add3A_142 = arith.constant 128 : i32
      %add3A_143 = vector.broadcast %add3A_142 : i32 to vector<16xi32>
      %add3A_144 = arith.addi %mul3A_41, %add3A_143 : vector<16xi32>
      %gather3A_145 = tpu.vector_load_idx %arg16[%add3A_141, %add3A_144] : memref<80x144xf32, #tpu.memory_space<vmem>>[vector<16xi32>, vector<16xi32>], vector<16xf32>,
      %gather3A_146 = tpu.vector_load_idx %arg17[%add3A_141, %mul3A_41] : memref<80x16xf32, #tpu.memory_space<vmem>>[vector<16xi32>, vector<16xi32>], vector<16xf32>,
      %add3A_147 = arith.addf %gather3A_145, %gather3A_146 : vector<16xf32>
      %gt3A_148 = arith.constant 0.000000e+00 : f32
      %gt3A_149 = vector.broadcast %gt3A_148 : f32 to vector<16xf32>
      %gt3A_150 = arith.cmpf ogt, %add3A_147, %gt3A_149 : vector<16xf32>
      %mul3A_151 = arith.constant 2.000000e-01 : f32
      %mul3A_152 = vector.broadcast %mul3A_151 : f32 to vector<16xf32>
      %mul3A_153 = arith.mulf %add3A_147, %mul3A_152 : vector<16xf32>
      %select_n3A_154 = arith.select %gt3A_150, %add3A_147, %mul3A_153 : vector<16xi1>, vector<16xf32>
      %sub3A_155 = arith.subf %select_n3A_154, %get3A_38 : vector<16xf32>
      %exp3A_156 = math.exp %sub3A_155 : vector<16xf32>
      %swap3A_157 = arith.constant 48 : index
      %swap3A_158 = tpu.vector_load %arg15[%swap3A_157] {strides = array<i32>} : memref<80xf32, #tpu.memory_space<vmem>>, vector<16xf32>,
      tpu.vector_store %arg15[%swap3A_157], %exp3A_156 {strides = array<i32>} : memref<80xf32, #tpu.memory_space<vmem>>, vector<16xf32>,
      %iota3A_159 = tpu.iota {dimensions = array<i32: 0>} : vector<16xi32>
      %add3A_160 = arith.constant 64 : i32
      %add3A_161 = vector.broadcast %add3A_160 : i32 to vector<16xi32>
      %add3A_162 = arith.addi %iota3A_159, %add3A_161 : vector<16xi32>
      %add3A_163 = arith.constant 128 : i32
      %add3A_164 = vector.broadcast %add3A_163 : i32 to vector<16xi32>
      %add3A_165 = arith.addi %mul3A_41, %add3A_164 : vector<16xi32>
      %gather3A_166 = tpu.vector_load_idx %arg16[%add3A_162, %add3A_165] : memref<80x144xf32, #tpu.memory_space<vmem>>[vector<16xi32>, vector<16xi32>], vector<16xf32>,
      %gather3A_167 = tpu.vector_load_idx %arg17[%add3A_162, %mul3A_41] : memref<80x16xf32, #tpu.memory_space<vmem>>[vector<16xi32>, vector<16xi32>], vector<16xf32>,
      %add3A_168 = arith.addf %gather3A_166, %gather3A_167 : vector<16xf32>
      %gt3A_169 = arith.constant 0.000000e+00 : f32
      %gt3A_170 = vector.broadcast %gt3A_169 : f32 to vector<16xf32>
      %gt3A_171 = arith.cmpf ogt, %add3A_168, %gt3A_170 : vector<16xf32>
      %mul3A_172 = arith.constant 2.000000e-01 : f32
      %mul3A_173 = vector.broadcast %mul3A_172 : f32 to vector<16xf32>
      %mul3A_174 = arith.mulf %add3A_168, %mul3A_173 : vector<16xf32>
      %select_n3A_175 = arith.select %gt3A_171, %add3A_168, %mul3A_174 : vector<16xi1>, vector<16xf32>
      %sub3A_176 = arith.subf %select_n3A_175, %get3A_38 : vector<16xf32>
      %exp3A_177 = math.exp %sub3A_176 : vector<16xf32>
      %swap3A_178 = arith.constant 64 : index
      %swap3A_179 = tpu.vector_load %arg15[%swap3A_178] {strides = array<i32>} : memref<80xf32, #tpu.memory_space<vmem>>, vector<16xf32>,
      tpu.vector_store %arg15[%swap3A_178], %exp3A_177 {strides = array<i32>} : memref<80xf32, #tpu.memory_space<vmem>>, vector<16xf32>,
      %scan3A_180 = arith.constant 0 : i32
      %scan3A_181 = arith.constant 0 : i32
      %scan3A_182 = arith.constant 80 : i32
      %scan3A_183 = arith.addi %scan3A_181, %scan3A_182 : i32
      %scan3A_184 = arith.constant 1 : i32
      scf.for %scan3A_192 = %scan3A_181 to %scan3A_183 step %scan3A_184  : i32 {
        %broadcast_in_dim3A_193 = arith.constant 0 : i32
        %broadcast_in_dim3A_194 = vector.broadcast %broadcast_in_dim3A_193 : i32 to vector<16xi32>
        %add3A_195 = vector.broadcast %scan3A_192 : i32 to vector<16xi32>
        %add3A_196 = arith.addi %broadcast_in_dim3A_194, %add3A_195 : vector<16xi32>
        %gather3A_197 = tpu.vector_load_idx %arg15[%add3A_196] : memref<80xf32, #tpu.memory_space<vmem>>[vector<16xi32>], vector<16xf32>,
        %get3A_198 = arith.index_cast %scan3A_192 : i32 to index
        %get3A_199 = arith.constant 0 : index
        %get3A_200 = tpu.vector_load %arg16[%get3A_198, %get3A_199] {strides = array<i32>} : memref<80x144xf32, #tpu.memory_space<vmem>>, vector<16xf32>,
        %mul3A_201 = arith.mulf %get3A_200, %gather3A_197 : vector<16xf32>
        %swap3A_202 = arith.index_cast %scan3A_192 : i32 to index
        %swap3A_203 = arith.constant 0 : index
        %swap3A_204 = tpu.vector_load %arg16[%swap3A_202, %swap3A_203] {strides = array<i32>} : memref<80x144xf32, #tpu.memory_space<vmem>>, vector<16xf32>,
        tpu.vector_store %arg16[%swap3A_202, %swap3A_203], %mul3A_201 {strides = array<i32>} : memref<80x144xf32, #tpu.memory_space<vmem>>, vector<16xf32>,
        %get3A_205 = arith.index_cast %scan3A_192 : i32 to index
        %get3A_206 = arith.constant 16 : index
        %get3A_207 = tpu.vector_load %arg16[%get3A_205, %get3A_206] {strides = array<i32>} : memref<80x144xf32, #tpu.memory_space<vmem>>, vector<16xf32>,
        %mul3A_208 = arith.mulf %get3A_207, %gather3A_197 : vector<16xf32>
        %swap3A_209 = arith.index_cast %scan3A_192 : i32 to index
        %swap3A_210 = arith.constant 16 : index
        %swap3A_211 = tpu.vector_load %arg16[%swap3A_209, %swap3A_210] {strides = array<i32>} : memref<80x144xf32, #tpu.memory_space<vmem>>, vector<16xf32>,
        tpu.vector_store %arg16[%swap3A_209, %swap3A_210], %mul3A_208 {strides = array<i32>} : memref<80x144xf32, #tpu.memory_space<vmem>>, vector<16xf32>,
        %get3A_212 = arith.index_cast %scan3A_192 : i32 to index
        %get3A_213 = arith.constant 32 : index
        %get3A_214 = tpu.vector_load %arg16[%get3A_212, %get3A_213] {strides = array<i32>} : memref<80x144xf32, #tpu.memory_space<vmem>>, vector<16xf32>,
        %mul3A_215 = arith.mulf %get3A_214, %gather3A_197 : vector<16xf32>
        %swap3A_216 = arith.index_cast %scan3A_192 : i32 to index
        %swap3A_217 = arith.constant 32 : index
        %swap3A_218 = tpu.vector_load %arg16[%swap3A_216, %swap3A_217] {strides = array<i32>} : memref<80x144xf32, #tpu.memory_space<vmem>>, vector<16xf32>,
        tpu.vector_store %arg16[%swap3A_216, %swap3A_217], %mul3A_215 {strides = array<i32>} : memref<80x144xf32, #tpu.memory_space<vmem>>, vector<16xf32>,
        %get3A_219 = arith.index_cast %scan3A_192 : i32 to index
        %get3A_220 = arith.constant 48 : index
        %get3A_221 = tpu.vector_load %arg16[%get3A_219, %get3A_220] {strides = array<i32>} : memref<80x144xf32, #tpu.memory_space<vmem>>, vector<16xf32>,
        %mul3A_222 = arith.mulf %get3A_221, %gather3A_197 : vector<16xf32>
        %swap3A_223 = arith.index_cast %scan3A_192 : i32 to index
        %swap3A_224 = arith.constant 48 : index
        %swap3A_225 = tpu.vector_load %arg16[%swap3A_223, %swap3A_224] {strides = array<i32>} : memref<80x144xf32, #tpu.memory_space<vmem>>, vector<16xf32>,
        tpu.vector_store %arg16[%swap3A_223, %swap3A_224], %mul3A_222 {strides = array<i32>} : memref<80x144xf32, #tpu.memory_space<vmem>>, vector<16xf32>,
        %get3A_226 = arith.index_cast %scan3A_192 : i32 to index
        %get3A_227 = arith.constant 64 : index
        %get3A_228 = tpu.vector_load %arg16[%get3A_226, %get3A_227] {strides = array<i32>} : memref<80x144xf32, #tpu.memory_space<vmem>>, vector<16xf32>,
        %mul3A_229 = arith.mulf %get3A_228, %gather3A_197 : vector<16xf32>
        %swap3A_230 = arith.index_cast %scan3A_192 : i32 to index
        %swap3A_231 = arith.constant 64 : index
        %swap3A_232 = tpu.vector_load %arg16[%swap3A_230, %swap3A_231] {strides = array<i32>} : memref<80x144xf32, #tpu.memory_space<vmem>>, vector<16xf32>,
        tpu.vector_store %arg16[%swap3A_230, %swap3A_231], %mul3A_229 {strides = array<i32>} : memref<80x144xf32, #tpu.memory_space<vmem>>, vector<16xf32>,
        %get3A_233 = arith.index_cast %scan3A_192 : i32 to index
        %get3A_234 = arith.constant 80 : index
        %get3A_235 = tpu.vector_load %arg16[%get3A_233, %get3A_234] {strides = array<i32>} : memref<80x144xf32, #tpu.memory_space<vmem>>, vector<16xf32>,
        %mul3A_236 = arith.mulf %get3A_235, %gather3A_197 : vector<16xf32>
        %swap3A_237 = arith.index_cast %scan3A_192 : i32 to index
        %swap3A_238 = arith.constant 80 : index
        %swap3A_239 = tpu.vector_load %arg16[%swap3A_237, %swap3A_238] {strides = array<i32>} : memref<80x144xf32, #tpu.memory_space<vmem>>, vector<16xf32>,
        tpu.vector_store %arg16[%swap3A_237, %swap3A_238], %mul3A_236 {strides = array<i32>} : memref<80x144xf32, #tpu.memory_space<vmem>>, vector<16xf32>,
        %get3A_240 = arith.index_cast %scan3A_192 : i32 to index
        %get3A_241 = arith.constant 96 : index
        %get3A_242 = tpu.vector_load %arg16[%get3A_240, %get3A_241] {strides = array<i32>} : memref<80x144xf32, #tpu.memory_space<vmem>>, vector<16xf32>,
        %mul3A_243 = arith.mulf %get3A_242, %gather3A_197 : vector<16xf32>
        %swap3A_244 = arith.index_cast %scan3A_192 : i32 to index
        %swap3A_245 = arith.constant 96 : index
        %swap3A_246 = tpu.vector_load %arg16[%swap3A_244, %swap3A_245] {strides = array<i32>} : memref<80x144xf32, #tpu.memory_space<vmem>>, vector<16xf32>,
        tpu.vector_store %arg16[%swap3A_244, %swap3A_245], %mul3A_243 {strides = array<i32>} : memref<80x144xf32, #tpu.memory_space<vmem>>, vector<16xf32>,
        %get3A_247 = arith.index_cast %scan3A_192 : i32 to index
        %get3A_248 = arith.constant 112 : index
        %get3A_249 = tpu.vector_load %arg16[%get3A_247, %get3A_248] {strides = array<i32>} : memref<80x144xf32, #tpu.memory_space<vmem>>, vector<16xf32>,
        %mul3A_250 = arith.mulf %get3A_249, %gather3A_197 : vector<16xf32>
        %swap3A_251 = arith.index_cast %scan3A_192 : i32 to index
        %swap3A_252 = arith.constant 112 : index
        %swap3A_253 = tpu.vector_load %arg16[%swap3A_251, %swap3A_252] {strides = array<i32>} : memref<80x144xf32, #tpu.memory_space<vmem>>, vector<16xf32>,
        tpu.vector_store %arg16[%swap3A_251, %swap3A_252], %mul3A_250 {strides = array<i32>} : memref<80x144xf32, #tpu.memory_space<vmem>>, vector<16xf32>,
        %swap3A_254 = arith.index_cast %scan3A_192 : i32 to index
        %swap3A_255 = arith.constant 128 : index
        %swap3A_256 = tpu.vector_load %arg16[%swap3A_254, %swap3A_255] {strides = array<i32>} : memref<80x144xf32, #tpu.memory_space<vmem>>, vector<16xf32>,
        tpu.vector_store %arg16[%swap3A_254, %swap3A_255], %gather3A_197 {strides = array<i32>} : memref<80x144xf32, #tpu.memory_space<vmem>>, vector<16xf32>,
      }
      %scan3A_185 = arith.constant 80 : i32
      %dma_start3A_186 = arith.constant 0 : i32
      %dma_start3A_187 = arith.constant 0 : i32
      %dma_start3A_188 = tpu.memref_slice %arg22[%dma_start3A_186, %dma_start3A_187] : memref<10000x144xf32, #tpu.memory_space<vmem_shared>> -> memref<10000x144xf32, #tpu.memory_space<vmem_shared>>
      tpu.enqueue_indirect_dma source(%arg16 : memref<80x144xf32, #tpu.memory_space<vmem>>) target(%dma_start3A_188 : memref<10000x144xf32, #tpu.memory_space<vmem_shared>>) offsets(%arg14 : memref<80xi32, #tpu.memory_space<vmem>>) semaphore(%arg21 : memref<!tpu.dma_semaphore, #tpu.memory_space<semaphore_mem>>) {add = true}
      %dma_wait3A_189 = arith.constant 0 : i32
      %dma_wait3A_190 = arith.constant 0 : i32
      %dma_wait3A_191 = tpu.memref_slice %arg22[%dma_wait3A_189, %dma_wait3A_190] : memref<10000x144xf32, #tpu.memory_space<vmem_shared>> -> memref<10000x144xf32, #tpu.memory_space<vmem_shared>>
      tpu.wait_indirect_dma semaphore(%arg21 : memref<!tpu.dma_semaphore, #tpu.memory_space<semaphore_mem>>) src(%arg16 : memref<80x144xf32, #tpu.memory_space<vmem>>) dst(%dma_wait3A_191 : memref<10000x144xf32, #tpu.memory_space<vmem_shared>>)
    }
    %scan3A_47 = arith.constant 125 : i32
    %barrier3A_48 = arith.constant 0 : index
    tpu.barrier barrier_id(%barrier3A_48)
    %lt3A = arith.constant 15 : i32
    %lt3A_49 = arith.cmpi slt, %arg1, %lt3A : i32
    %convert_element_type3A = arith.extui %lt3A_49 : i1 to i32
    %cond3A = arith.constant 0 : i32
    %cond3A_50 = arith.cmpi ne, %convert_element_type3A, %cond3A : i32
    scf.if %cond3A_50 {
      %mul3A_56 = arith.constant 640 : i32
      %mul3A_57 = arith.muli %arg1, %mul3A_56 : i32
      %mul3A_58 = arith.constant 10000 : i32
      %mul3A_59 = arith.muli %arg0, %mul3A_58 : i32
      %mul3A_60 = arith.constant 640 : i32
      %mul3A_61 = arith.muli %arg1, %mul3A_60 : i32
      %add3A_62 = arith.addi %mul3A_59, %mul3A_61 : i32
      "tpu.region"() ({
        %run_scoped3A = tpu.sem_alloc : memref<!tpu.dma_semaphore, #tpu.memory_space<semaphore_mem>>
        %dma_start3A_63 = arith.constant 0 : i32
        %dma_start3A_64 = tpu.memref_slice %arg8[%add3A_62, %dma_start3A_63] : memref<20000x144xf32, #tpu.memory_space<hbm>> -> memref<640x144xf32, #tpu.memory_space<hbm>>
        %dma_start3A_65 = arith.constant 0 : i32
        %dma_start3A_66 = tpu.memref_slice %arg22[%mul3A_57, %dma_start3A_65] : memref<10000x144xf32, #tpu.memory_space<vmem_shared>> -> memref<640x144xf32, #tpu.memory_space<vmem_shared>>
        tpu.enqueue_dma source(%dma_start3A_66 : memref<640x144xf32, #tpu.memory_space<vmem_shared>>) target(%dma_start3A_64 : memref<640x144xf32, #tpu.memory_space<hbm>>) target_semaphore(%run_scoped3A : memref<!tpu.dma_semaphore, #tpu.memory_space<semaphore_mem>>)
        %dma_wait3A_67 = arith.constant 0 : i32
        %dma_wait3A_68 = tpu.memref_slice %arg8[%add3A_62, %dma_wait3A_67] : memref<20000x144xf32, #tpu.memory_space<hbm>> -> memref<640x144xf32, #tpu.memory_space<hbm>>
        %dma_wait3A_69 = arith.constant 0 : i32
        %dma_wait3A_70 = tpu.memref_slice %arg22[%mul3A_57, %dma_wait3A_69] : memref<10000x144xf32, #tpu.memory_space<vmem_shared>> -> memref<640x144xf32, #tpu.memory_space<vmem_shared>>
        tpu.wait_dma2 semaphore(%run_scoped3A : memref<!tpu.dma_semaphore, #tpu.memory_space<semaphore_mem>>) src(%dma_wait3A_70 : memref<640x144xf32, #tpu.memory_space<vmem_shared>>) dst(%dma_wait3A_68 : memref<640x144xf32, #tpu.memory_space<hbm>>)
        tpu.yield
      }) : () -> ()
    } else {
    }
    %eq3A_51 = arith.constant 15 : i32
    %eq3A_52 = arith.cmpi eq, %arg1, %eq3A_51 : i32
    %convert_element_type3A_53 = arith.extui %eq3A_52 : i1 to i32
    %cond3A_54 = arith.constant 0 : i32
    %cond3A_55 = arith.cmpi ne, %convert_element_type3A_53, %cond3A_54 : i32
    scf.if %cond3A_55 {
      %mul3A_56 = arith.constant 10000 : i32
      %mul3A_57 = arith.muli %arg0, %mul3A_56 : i32
      %add3A_58 = arith.constant 9600 : i32
      %add3A_59 = arith.addi %mul3A_57, %add3A_58 : i32
      "tpu.region"() ({
        %run_scoped3A = tpu.sem_alloc : memref<!tpu.dma_semaphore, #tpu.memory_space<semaphore_mem>>
        %dma_start3A_60 = arith.constant 0 : i32
        %dma_start3A_61 = tpu.memref_slice %arg8[%add3A_59, %dma_start3A_60] : memref<20000x144xf32, #tpu.memory_space<hbm>> -> memref<400x144xf32, #tpu.memory_space<hbm>>
        %dma_start3A_62 = arith.constant 9600 : i32
        %dma_start3A_63 = arith.constant 0 : i32
        %dma_start3A_64 = tpu.memref_slice %arg22[%dma_start3A_62, %dma_start3A_63] : memref<10000x144xf32, #tpu.memory_space<vmem_shared>> -> memref<400x144xf32, #tpu.memory_space<vmem_shared>>
        tpu.enqueue_dma source(%dma_start3A_64 : memref<400x144xf32, #tpu.memory_space<vmem_shared>>) target(%dma_start3A_61 : memref<400x144xf32, #tpu.memory_space<hbm>>) target_semaphore(%run_scoped3A : memref<!tpu.dma_semaphore, #tpu.memory_space<semaphore_mem>>)
        %dma_wait3A_65 = arith.constant 0 : i32
        %dma_wait3A_66 = tpu.memref_slice %arg8[%add3A_59, %dma_wait3A_65] : memref<20000x144xf32, #tpu.memory_space<hbm>> -> memref<400x144xf32, #tpu.memory_space<hbm>>
        %dma_wait3A_67 = arith.constant 9600 : i32
        %dma_wait3A_68 = arith.constant 0 : i32
        %dma_wait3A_69 = tpu.memref_slice %arg22[%dma_wait3A_67, %dma_wait3A_68] : memref<10000x144xf32, #tpu.memory_space<vmem_shared>> -> memref<400x144xf32, #tpu.memory_space<vmem_shared>>
        tpu.wait_dma2 semaphore(%run_scoped3A : memref<!tpu.dma_semaphore, #tpu.memory_space<semaphore_mem>>) src(%dma_wait3A_69 : memref<400x144xf32, #tpu.memory_space<vmem_shared>>) dst(%dma_wait3A_66 : memref<400x144xf32, #tpu.memory_space<hbm>>)
        tpu.yield
      }) : () -> ()
    } else {
    }
    return
  }
}

module attributes {stable_mosaic.version = 14 : i64} {
  func.func @_k1_body(%arg0: i32, %arg1: memref<1000x128xf32, #tpu.memory_space<vmem>>, %arg2: memref<128x128xf32, #tpu.memory_space<vmem>>, %arg3: memref<1x128xf32, #tpu.memory_space<vmem>>, %arg4: memref<1x128xf32, #tpu.memory_space<vmem>>, %arg5: memref<1000x144xf32, #tpu.memory_space<vmem>>, %arg6: memref<1000x16xf32, #tpu.memory_space<vmem>>, %arg7: memref<1x1xf32, #tpu.memory_space<vmem>>, %arg8: memref<1x2xf32, #tpu.memory_space<smem>>) attributes {dimension_semantics = [#tpu.dimension_semantics<arbitrary>], iteration_bounds = array<i64: 10>, scalar_prefetch = 0 : i64, scratch_operands = 1 : i64, tpu.core_type = #tpu.core_type<tc>, window_params = [{transform_indices = @transform_0, window_bounds = array<i64: 1000, 128>}, {pipeline_mode = #tpu.pipeline_mode<synchronous>, transform_indices = @transform_1, window_bounds = array<i64: 128, 128>}, {pipeline_mode = #tpu.pipeline_mode<synchronous>, transform_indices = @transform_2, window_bounds = array<i64: 1, 128>}, {pipeline_mode = #tpu.pipeline_mode<synchronous>, transform_indices = @transform_3, window_bounds = array<i64: 1, 128>}, {transform_indices = @transform_4, window_bounds = array<i64: 1000, 144>}, {transform_indices = @transform_5, window_bounds = array<i64: 1000, 16>}, {pipeline_mode = #tpu.pipeline_mode<synchronous>, transform_indices = @transform_6, window_bounds = array<i64: 1, 1>}]} {
    %get3A = arith.constant 0 : index
    %get3A_0 = arith.constant 0 : index
    %get3A_1 = vector.load %arg1[%get3A, %get3A_0] : memref<1000x128xf32, #tpu.memory_space<vmem>>, vector<1000x128xf32>
    %get3A_2 = arith.constant 0 : index
    %get3A_3 = arith.constant 0 : index
    %get3A_4 = vector.load %arg2[%get3A_2, %get3A_3] : memref<128x128xf32, #tpu.memory_space<vmem>>, vector<128x128xf32>
    %dot_general3A = arith.constant dense<0.000000e+00> : vector<1000x128xf32>
    %dot_general3A_5 = tpu.matmul %get3A_1, %get3A_4, %dot_general3A {dimension_numbers = #tpu.dot_dimension_numbers<[1], [0], [0], [1], [0, 0, 1, 1], [], []>, transpose_lhs_hint = false} : vector<1000x128xf32>, vector<128x128xf32>, vector<1000x128xf32> -> vector<1000x128xf32>
    %get3A_6 = arith.constant 0 : index
    %get3A_7 = arith.constant 0 : index
    %get3A_8 = vector.load %arg3[%get3A_6, %get3A_7] : memref<1x128xf32, #tpu.memory_space<vmem>>, vector<1x128xf32>
    %mul3A = vector.broadcast %get3A_8 : vector<1x128xf32> to vector<1000x128xf32>
    %mul3A_9 = arith.mulf %dot_general3A_5, %mul3A : vector<1000x128xf32>
    %reduce_sum3A = arith.constant dense<0.000000e+00> : vector<1000xf32>
    %reduce_sum3A_10 = vector.multi_reduction <add>, %mul3A_9, %reduce_sum3A [1] : vector<1000x128xf32> to vector<1000xf32>
    %broadcast_in_dim3A = vector.shape_cast %reduce_sum3A_10 : vector<1000xf32> to vector<1000x1xf32>
    %get3A_11 = arith.constant 0 : index
    %get3A_12 = arith.constant 0 : index
    %get3A_13 = vector.load %arg4[%get3A_11, %get3A_12] : memref<1x128xf32, #tpu.memory_space<vmem>>, vector<1x128xf32>
    %mul3A_14 = vector.broadcast %get3A_13 : vector<1x128xf32> to vector<1000x128xf32>
    %mul3A_15 = arith.mulf %dot_general3A_5, %mul3A_14 : vector<1000x128xf32>
    %reduce_sum3A_16 = arith.constant dense<0.000000e+00> : vector<1000xf32>
    %reduce_sum3A_17 = vector.multi_reduction <add>, %mul3A_15, %reduce_sum3A_16 [1] : vector<1000x128xf32> to vector<1000xf32>
    %broadcast_in_dim3A_18 = vector.shape_cast %reduce_sum3A_17 : vector<1000xf32> to vector<1000x1xf32>
    %broadcast_in_dim3A_19 = vector.shape_cast %broadcast_in_dim3A : vector<1000x1xf32> to vector<1000x1xf32>
    %broadcast_in_dim3A_20 = vector.broadcast %broadcast_in_dim3A_19 : vector<1000x1xf32> to vector<1000x16xf32>
    %concatenate3A = tpu.concatenate %dot_general3A_5, %broadcast_in_dim3A_20 in 1 : vector<1000x128xf32>, vector<1000x16xf32> -> vector<1000x144xf32>
    %swap3A = arith.constant 0 : index
    %swap3A_21 = arith.constant 0 : index
    %swap3A_22 = vector.load %arg5[%swap3A, %swap3A_21] : memref<1000x144xf32, #tpu.memory_space<vmem>>, vector<1000x144xf32>
    tpu.vector_store %arg5[%swap3A, %swap3A_21], %concatenate3A {strides = array<i32>} : memref<1000x144xf32, #tpu.memory_space<vmem>>, vector<1000x144xf32>,
    %broadcast_in_dim3A_23 = vector.shape_cast %broadcast_in_dim3A_18 : vector<1000x1xf32> to vector<1000x1xf32>
    %broadcast_in_dim3A_24 = vector.broadcast %broadcast_in_dim3A_23 : vector<1000x1xf32> to vector<1000x16xf32>
    %swap3A_25 = arith.constant 0 : index
    %swap3A_26 = arith.constant 0 : index
    %swap3A_27 = vector.load %arg6[%swap3A_25, %swap3A_26] : memref<1000x16xf32, #tpu.memory_space<vmem>>, vector<1000x16xf32>
    tpu.vector_store %arg6[%swap3A_25, %swap3A_26], %broadcast_in_dim3A_24 {strides = array<i32>} : memref<1000x16xf32, #tpu.memory_space<vmem>>, vector<1000x16xf32>,
    %eq3A = arith.constant 0 : i32
    %eq3A_28 = arith.cmpi eq, %arg0, %eq3A : i32
    %convert_element_type3A = arith.extui %eq3A_28 : i1 to i32
    %cond3A = arith.constant 0 : i32
    %cond3A_29 = arith.cmpi ne, %convert_element_type3A, %cond3A : i32
    scf.if %cond3A_29 {
      %swap3A_57 = arith.constant 0xFF800000 : f32
      %swap3A_58 = arith.constant 0 : index
      %swap3A_59 = arith.constant 0 : index
      %swap3A_60 = memref.load %arg8[%swap3A_58, %swap3A_59] : memref<1x2xf32, #tpu.memory_space<smem>>
      memref.store %swap3A_57, %arg8[%swap3A_58, %swap3A_59] : memref<1x2xf32, #tpu.memory_space<smem>>
      %swap3A_61 = arith.constant 0xFF800000 : f32
      %swap3A_62 = arith.constant 0 : index
      %swap3A_63 = arith.constant 1 : index
      %swap3A_64 = memref.load %arg8[%swap3A_62, %swap3A_63] : memref<1x2xf32, #tpu.memory_space<smem>>
      memref.store %swap3A_61, %arg8[%swap3A_62, %swap3A_63] : memref<1x2xf32, #tpu.memory_space<smem>>
    } else {
    }
    %get3A_30 = arith.constant 0 : index
    %get3A_31 = arith.constant 0 : index
    %get3A_32 = memref.load %arg8[%get3A_30, %get3A_31] : memref<1x2xf32, #tpu.memory_space<smem>>
    %reduce_max3A = vector.shape_cast %broadcast_in_dim3A : vector<1000x1xf32> to vector<1x1000x1xf32>
    %reduce_max3A_33 = arith.constant dense<0xFF800000> : vector<1xf32>
    %reduce_max3A_34 = vector.multi_reduction <maximumf>, %reduce_max3A, %reduce_max3A_33 [1, 2] : vector<1x1000x1xf32> to vector<1xf32>
    %reduce_max3A_35 = vector.shape_cast %reduce_max3A_34 : vector<1xf32> to vector<1x1x1xf32>
    %reduce_max3A_36 = vector.extract %reduce_max3A_35[0, 0, 0] : f32 from vector<1x1x1xf32>
    %max3A = arith.maximumf %get3A_32, %reduce_max3A_36 : f32
    %swap3A_37 = arith.constant 0 : index
    %swap3A_38 = arith.constant 0 : index
    %swap3A_39 = memref.load %arg8[%swap3A_37, %swap3A_38] : memref<1x2xf32, #tpu.memory_space<smem>>
    memref.store %max3A, %arg8[%swap3A_37, %swap3A_38] : memref<1x2xf32, #tpu.memory_space<smem>>
    %get3A_40 = arith.constant 0 : index
    %get3A_41 = arith.constant 1 : index
    %get3A_42 = memref.load %arg8[%get3A_40, %get3A_41] : memref<1x2xf32, #tpu.memory_space<smem>>
    %reduce_max3A_43 = vector.shape_cast %broadcast_in_dim3A_18 : vector<1000x1xf32> to vector<1x1000x1xf32>
    %reduce_max3A_44 = arith.constant dense<0xFF800000> : vector<1xf32>
    %reduce_max3A_45 = vector.multi_reduction <maximumf>, %reduce_max3A_43, %reduce_max3A_44 [1, 2] : vector<1x1000x1xf32> to vector<1xf32>
    %reduce_max3A_46 = vector.shape_cast %reduce_max3A_45 : vector<1xf32> to vector<1x1x1xf32>
    %reduce_max3A_47 = vector.extract %reduce_max3A_46[0, 0, 0] : f32 from vector<1x1x1xf32>
    %max3A_48 = arith.maximumf %get3A_42, %reduce_max3A_47 : f32
    %swap3A_49 = arith.constant 0 : index
    %swap3A_50 = arith.constant 1 : index
    %swap3A_51 = memref.load %arg8[%swap3A_49, %swap3A_50] : memref<1x2xf32, #tpu.memory_space<smem>>
    memref.store %max3A_48, %arg8[%swap3A_49, %swap3A_50] : memref<1x2xf32, #tpu.memory_space<smem>>
    %eq3A_52 = arith.constant 9 : i32
    %eq3A_53 = arith.cmpi eq, %arg0, %eq3A_52 : i32
    %convert_element_type3A_54 = arith.extui %eq3A_53 : i1 to i32
    %cond3A_55 = arith.constant 0 : i32
    %cond3A_56 = arith.cmpi ne, %convert_element_type3A_54, %cond3A_55 : i32
    scf.if %cond3A_56 {
      %get3A_57 = arith.constant 0 : index
      %get3A_58 = arith.constant 0 : index
      %get3A_59 = memref.load %arg8[%get3A_57, %get3A_58] : memref<1x2xf32, #tpu.memory_space<smem>>
      %get3A_60 = arith.constant 0 : index
      %get3A_61 = arith.constant 1 : index
      %get3A_62 = memref.load %arg8[%get3A_60, %get3A_61] : memref<1x2xf32, #tpu.memory_space<smem>>
      %add3A = arith.addf %get3A_59, %get3A_62 : f32
      %gt3A = arith.constant 0.000000e+00 : f32
      %gt3A_63 = arith.cmpf ogt, %add3A, %gt3A : f32
      %mul3A_64 = arith.constant 2.000000e-01 : f32
      %mul3A_65 = arith.mulf %mul3A_64, %add3A : f32
      %select_n3A = arith.select %gt3A_63, %add3A, %mul3A_65 : f32
      %reshape3A = vector.broadcast %select_n3A : f32 to vector<1x1xf32>
      %swap3A_66 = arith.constant 0 : index
      %swap3A_67 = arith.constant 0 : index
      %swap3A_68 = vector.load %arg7[%swap3A_66, %swap3A_67] : memref<1x1xf32, #tpu.memory_space<vmem>>, vector<1x1xf32>
      tpu.vector_store %arg7[%swap3A_66, %swap3A_67], %reshape3A {strides = array<i32>} : memref<1x1xf32, #tpu.memory_space<vmem>>, vector<1x1xf32>,
    } else {
    }
    return
  }
  func.func @transform_0(%arg0: i32) -> (i32, i32) {
    %c0_i32 = arith.constant 0 : i32
    %c0_i32_0 = arith.constant 0 : i32
    return %arg0, %c0_i32 : i32, i32
  }
  func.func @transform_1(%arg0: i32) -> (i32, i32) {
    %c0_i32 = arith.constant 0 : i32
    %c0_i32_0 = arith.constant 0 : i32
    %c0_i32_1 = arith.constant 0 : i32
    return %c0_i32, %c0_i32_0 : i32, i32
  }
  func.func @transform_2(%arg0: i32) -> (i32, i32) {
    %c0_i32 = arith.constant 0 : i32
    %c0_i32_0 = arith.constant 0 : i32
    %c0_i32_1 = arith.constant 0 : i32
    return %c0_i32, %c0_i32_0 : i32, i32
  }
  func.func @transform_3(%arg0: i32) -> (i32, i32) {
    %c0_i32 = arith.constant 0 : i32
    %c0_i32_0 = arith.constant 0 : i32
    %c0_i32_1 = arith.constant 0 : i32
    return %c0_i32, %c0_i32_0 : i32, i32
  }
  func.func @transform_4(%arg0: i32) -> (i32, i32) {
    %c0_i32 = arith.constant 0 : i32
    %c0_i32_0 = arith.constant 0 : i32
    return %arg0, %c0_i32 : i32, i32
  }
  func.func @transform_5(%arg0: i32) -> (i32, i32) {
    %c0_i32 = arith.constant 0 : i32
    %c0_i32_0 = arith.constant 0 : i32
    return %arg0, %c0_i32 : i32, i32
  }
  func.func @transform_6(%arg0: i32) -> (i32, i32) {
    %c0_i32 = arith.constant 0 : i32
    %c0_i32_0 = arith.constant 0 : i32
    %c0_i32_1 = arith.constant 0 : i32
    return %c0_i32, %c0_i32_0 : i32, i32
  }
}

module attributes {stable_mosaic.version = 14 : i64} {
  func.func @_k3_body(%arg0: i32, %arg1: memref<1000x144xf32, #tpu.memory_space<vmem>>, %arg2: memref<1000x144xf32, #tpu.memory_space<vmem>>, %arg3: memref<128x1xf32, #tpu.memory_space<vmem>>, %arg4: memref<1x1xf32, #tpu.memory_space<vmem>>, %arg5: memref<1x1xf32, #tpu.memory_space<vmem>>, %arg6: memref<1x128xf32, #tpu.memory_space<vmem>>) attributes {dimension_semantics = [#tpu.dimension_semantics<arbitrary>], iteration_bounds = array<i64: 10>, scalar_prefetch = 0 : i64, scratch_operands = 1 : i64, tpu.core_type = #tpu.core_type<tc>, window_params = [{transform_indices = @transform_0, window_bounds = array<i64: 1000, 144>}, {transform_indices = @transform_1, window_bounds = array<i64: 1000, 144>}, {pipeline_mode = #tpu.pipeline_mode<synchronous>, transform_indices = @transform_2, window_bounds = array<i64: 128, 1>}, {pipeline_mode = #tpu.pipeline_mode<synchronous>, transform_indices = @transform_3, window_bounds = array<i64: 1, 1>}, {pipeline_mode = #tpu.pipeline_mode<synchronous>, transform_indices = @transform_4, window_bounds = array<i64: 1, 1>}]} {
    %get3A = arith.constant 0 : index
    %get3A_0 = arith.constant 0 : index
    %get3A_1 = vector.load %arg1[%get3A, %get3A_0] : memref<1000x144xf32, #tpu.memory_space<vmem>>, vector<1000x144xf32>
    %get3A_2 = arith.constant 0 : index
    %get3A_3 = arith.constant 0 : index
    %get3A_4 = vector.load %arg2[%get3A_2, %get3A_3] : memref<1000x144xf32, #tpu.memory_space<vmem>>, vector<1000x144xf32>
    %add3A = arith.addf %get3A_1, %get3A_4 : vector<1000x144xf32>
    %slice3A = vector.extract_strided_slice %add3A {offsets = [0, 128], sizes = [1000, 1], strides = [1, 1]} : vector<1000x144xf32> to vector<1000x1xf32>
    %squeeze3A = vector.shape_cast %slice3A : vector<1000x1xf32> to vector<1000xf32>
    %slice3A_5 = vector.extract_strided_slice %add3A {offsets = [0, 0], sizes = [1000, 128], strides = [1, 1]} : vector<1000x144xf32> to vector<1000x128xf32>
    %broadcast_in_dim3A = vector.shape_cast %squeeze3A : vector<1000xf32> to vector<1000x1xf32>
    %add3A_6 = arith.constant 1.000000e-16 : f32
    %add3A_7 = vector.broadcast %add3A_6 : f32 to vector<1000x1xf32>
    %add3A_8 = arith.addf %broadcast_in_dim3A, %add3A_7 : vector<1000x1xf32>
    %div3A = vector.broadcast %add3A_8 : vector<1000x1xf32> to vector<1000x128xf32>
    %div3A_9 = arith.divf %slice3A_5, %div3A : vector<1000x128xf32>
    %gt3A = arith.constant 0.000000e+00 : f32
    %gt3A_10 = vector.broadcast %gt3A : f32 to vector<1000x128xf32>
    %gt3A_11 = arith.cmpf ogt, %div3A_9, %gt3A_10 : vector<1000x128xf32>
    %min3A = arith.constant 0.000000e+00 : f32
    %min3A_12 = vector.broadcast %min3A : f32 to vector<1000x128xf32>
    %min3A_13 = arith.minimumf %div3A_9, %min3A_12 : vector<1000x128xf32>
    %exp3A = math.exp %min3A_13 : vector<1000x128xf32>
    %sub3A = arith.constant 1.000000e+00 : f32
    %sub3A_14 = vector.broadcast %sub3A : f32 to vector<1000x128xf32>
    %sub3A_15 = arith.subf %exp3A, %sub3A_14 : vector<1000x128xf32>
    %select_n3A = arith.select %gt3A_11, %div3A_9, %sub3A_15 : vector<1000x128xi1>, vector<1000x128xf32>
    %eq3A = arith.constant 0 : i32
    %eq3A_16 = arith.cmpi eq, %arg0, %eq3A : i32
    %convert_element_type3A = arith.extui %eq3A_16 : i1 to i32
    %cond3A = arith.constant 0 : i32
    %cond3A_17 = arith.cmpi ne, %convert_element_type3A, %cond3A : i32
    scf.if %cond3A_17 {
      %broadcast_in_dim3A_31 = arith.constant 0.000000e+00 : f32
      %broadcast_in_dim3A_32 = vector.broadcast %broadcast_in_dim3A_31 : f32 to vector<1x128xf32>
      %swap3A_33 = arith.constant 0 : index
      %swap3A_34 = arith.constant 0 : index
      %swap3A_35 = vector.load %arg6[%swap3A_33, %swap3A_34] : memref<1x128xf32, #tpu.memory_space<vmem>>, vector<1x128xf32>
      tpu.vector_store %arg6[%swap3A_33, %swap3A_34], %broadcast_in_dim3A_32 {strides = array<i32>} : memref<1x128xf32, #tpu.memory_space<vmem>>, vector<1x128xf32>,
    } else {
    }
    %get3A_18 = arith.constant 0 : index
    %get3A_19 = arith.constant 0 : index
    %get3A_20 = vector.load %arg6[%get3A_18, %get3A_19] : memref<1x128xf32, #tpu.memory_space<vmem>>, vector<1x128xf32>
    %reduce_sum3A = arith.constant dense<0.000000e+00> : vector<128xf32>
    %reduce_sum3A_21 = vector.multi_reduction <add>, %select_n3A, %reduce_sum3A [0] : vector<1000x128xf32> to vector<128xf32>
    %broadcast_in_dim3A_22 = vector.shape_cast %reduce_sum3A_21 : vector<128xf32> to vector<1x128xf32>
    %add3A_23 = arith.addf %get3A_20, %broadcast_in_dim3A_22 : vector<1x128xf32>
    %swap3A = arith.constant 0 : index
    %swap3A_24 = arith.constant 0 : index
    %swap3A_25 = vector.load %arg6[%swap3A, %swap3A_24] : memref<1x128xf32, #tpu.memory_space<vmem>>, vector<1x128xf32>
    tpu.vector_store %arg6[%swap3A, %swap3A_24], %add3A_23 {strides = array<i32>} : memref<1x128xf32, #tpu.memory_space<vmem>>, vector<1x128xf32>,
    %eq3A_26 = arith.constant 9 : i32
    %eq3A_27 = arith.cmpi eq, %arg0, %eq3A_26 : i32
    %convert_element_type3A_28 = arith.extui %eq3A_27 : i1 to i32
    %cond3A_29 = arith.constant 0 : i32
    %cond3A_30 = arith.cmpi ne, %convert_element_type3A_28, %cond3A_29 : i32
    scf.if %cond3A_30 {
      %get3A_31 = arith.constant 0 : index
      %get3A_32 = arith.constant 0 : index
      %get3A_33 = vector.load %arg6[%get3A_31, %get3A_32] : memref<1x128xf32, #tpu.memory_space<vmem>>, vector<1x128xf32>
      %get3A_34 = arith.constant 0 : index
      %get3A_35 = arith.constant 0 : index
      %get3A_36 = vector.load %arg3[%get3A_34, %get3A_35] : memref<128x1xf32, #tpu.memory_space<vmem>>, vector<128x1xf32>
      %transpose3A = tpu.transpose %get3A_36, [1, 0] : vector<128x1xf32> -> vector<1x128xf32>
      %mul3A = arith.mulf %get3A_33, %transpose3A : vector<1x128xf32>
      %reduce_sum3A_37 = vector.shape_cast %mul3A : vector<1x128xf32> to vector<1x1x128xf32>
      %reduce_sum3A_38 = arith.constant dense<0.000000e+00> : vector<1xf32>
      %reduce_sum3A_39 = vector.multi_reduction <add>, %reduce_sum3A_37, %reduce_sum3A_38 [1, 2] : vector<1x1x128xf32> to vector<1xf32>
      %reduce_sum3A_40 = vector.shape_cast %reduce_sum3A_39 : vector<1xf32> to vector<1x1x1xf32>
      %reduce_sum3A_41 = vector.extract %reduce_sum3A_40[0, 0, 0] : f32 from vector<1x1x1xf32>
      %div3A_42 = arith.constant 1.000000e+04 : f32
      %div3A_43 = arith.divf %reduce_sum3A_41, %div3A_42 : f32
      %get3A_44 = arith.constant 0 : index
      %get3A_45 = arith.constant 0 : index
      %get3A_46 = vector.load %arg4[%get3A_44, %get3A_45] : memref<1x1xf32, #tpu.memory_space<vmem>>, vector<1x1xf32>
      %reduce_sum3A_47 = vector.shape_cast %get3A_46 : vector<1x1xf32> to vector<1x1x1xf32>
      %reduce_sum3A_48 = arith.constant dense<0.000000e+00> : vector<1xf32>
      %reduce_sum3A_49 = vector.multi_reduction <add>, %reduce_sum3A_47, %reduce_sum3A_48 [1, 2] : vector<1x1x1xf32> to vector<1xf32>
      %reduce_sum3A_50 = vector.shape_cast %reduce_sum3A_49 : vector<1xf32> to vector<1x1x1xf32>
      %reduce_sum3A_51 = vector.extract %reduce_sum3A_50[0, 0, 0] : f32 from vector<1x1x1xf32>
      %add3A_52 = arith.addf %div3A_43, %reduce_sum3A_51 : f32
      %reshape3A = vector.broadcast %add3A_52 : f32 to vector<1x1xf32>
      %swap3A_53 = arith.constant 0 : index
      %swap3A_54 = arith.constant 0 : index
      %swap3A_55 = vector.load %arg5[%swap3A_53, %swap3A_54] : memref<1x1xf32, #tpu.memory_space<vmem>>, vector<1x1xf32>
      tpu.vector_store %arg5[%swap3A_53, %swap3A_54], %reshape3A {strides = array<i32>} : memref<1x1xf32, #tpu.memory_space<vmem>>, vector<1x1xf32>,
    } else {
    }
    return
  }
  func.func @transform_0(%arg0: i32) -> (i32, i32) {
    %c0_i32 = arith.constant 0 : i32
    %c0_i32_0 = arith.constant 0 : i32
    return %arg0, %c0_i32 : i32, i32
  }
  func.func @transform_1(%arg0: i32) -> (i32, i32) {
    %c0_i32 = arith.constant 0 : i32
    %c0_i32_0 = arith.constant 0 : i32
    return %arg0, %c0_i32 : i32, i32
  }
  func.func @transform_2(%arg0: i32) -> (i32, i32) {
    %c0_i32 = arith.constant 0 : i32
    %c0_i32_0 = arith.constant 0 : i32
    %c0_i32_1 = arith.constant 0 : i32
    return %c0_i32, %c0_i32_0 : i32, i32
  }
  func.func @transform_3(%arg0: i32) -> (i32, i32) {
    %c0_i32 = arith.constant 0 : i32
    %c0_i32_0 = arith.constant 0 : i32
    %c0_i32_1 = arith.constant 0 : i32
    return %c0_i32, %c0_i32_0 : i32, i32
  }
  func.func @transform_4(%arg0: i32) -> (i32, i32) {
    %c0_i32 = arith.constant 0 : i32
    %c0_i32_0 = arith.constant 0 : i32
    %c0_i32_1 = arith.constant 0 : i32
    return %c0_i32, %c0_i32_0 : i32, i32
  }
}

</mosaic_0001>

<sc_bundles>
// kernel: kernel.5.cloned.1.call-start
scs
__scs_entry_jumppad:
0x0: {  	(pc) =	sbr.rel $0x88, $3  }
0x1: {  	(tag) =	ssettag $0x0;
	lr =	simm.s32 $0x1  }
0x2: {  	[smem:$0x3F99] =	sst lr;
	_ =	strace $0xD0000000  }
0x3: {  	_ = 	snop  }
0x4: {  	_ = 	snop  }
0x5: {  	_ = 	snop  }
0x6: {  	_ = 	snop  }
0x7: {  	_ = 	snop  }
__scs_overlays_trampoline_lowered:
0x8: {  	[smem:$0x3FA8] =	sst s0  }
0x9: {  	[smem:$0x3FA9] =	sst s1  }
0xa: {  	[smem:$0x3FAA] =	sst s2  }
0xb: {  	[smem:$0x3FAB] =	sst s3  }
0xc: {  	[smem:$0x3FAC] =	sst s4  }
0xd: {  	[smem:$0x3FAD] =	sst s5  }
0xe: {  	[smem:$0x3FAE] =	sst s6  }
0xf: {  	[smem:$0x3FAF] =	sst s7  }
0x10: {  	[smem:$0x3FB0] =	sst s8  }
0x11: {  	[smem:$0x3FB1] =	sst s9;
	s0 =	simm.s32 @!p0 $0x0  }
0x12: {  	s1 =	sld [smem:$0x3F97];
	s0 =	simm.s32 @p0 $0x1  }
0x13: {  	[smem:$0x3FB2] =	sst s0;
	s0 =	simm.s32 @!p1 $0x0  }
0x14: {  	s2 =	sld [smem:$0x3F96];
	s0 =	simm.s32 @p1 $0x1  }
0x15: {  	[smem:$0x3FB3] =	sst s0;
	s0 =	simm.s32 @!p2 $0x0  }
0x16: {  	s3 =	sld [smem:$0x3FDB];
	s0 =	simm.s32 @p2 $0x1  }
0x17: {  	s4 =	simm.s32 $0x1BF5;
	[smem:$0x3FB5] =	sst s0  }
0x18: {  	s0 =	sld [smem:$0x3F98];
	_ =	swait.ge [sflag:s4], $0x0  }
0x19: {  	s7 =	sld [smem:$0x3F99]  }
0x1a: {  	s8 =	sadd.s32 $0xFFFFE003, lr  }
0x1b: {  	s9 =	sadd.s32 $0xFFFFFEF7, lr;
	s5 =	simm.s32 $0xFFFFFFFF;
	p2 =	slt.u32 s8, $0xFFFFF086  }
0x1c: {  	p1 =	slt.u32 s9, $0xF7A;
	s5 =	simm.s32 @!p2 $0x0  }
0x1d: {  	s5 =	simm.s32 @p1 $0x1;
	p0 =	seq.s32 s7, s2  }
0x1e: {  	s7 =	smul.u32 @!p0 $0xF7A, s2;
	p2 =	seq.s32 @!p0 s5, $0x0  }
0x1f: {  	s9 =	smul.u32 $0xF7A, s1;
	s8 =	simm.s32 @!p0 $0x1BF5;
	p2 =	por !p2, p0  }
0x20: {  	[sflag:s8] =	ssyncset.s32 @!p0 $0xFFFFF086;
	s6 =	sadd.s32 @!p0 s3, s7;
	s7 =	simm.s32 @!p0 $0x108  }
0x21: {  	s3 =	sadd.s32 s3, s9;
	s6 =	sadd.s32 @!p0 $0x88, s6;
	s7 =	simm.s32 @p2 $0x1082  }
0x22: {  	[simem:s7], [sflag:s8] =	dma.local @!p0 [hbm:s6], $0xF7A  }
0x23: {  	s9 =	sor.u32 $0xD0000000, s2;
	s6 =	simm.s32 $0x108;
	_ =	swait.ge @!p0 [sflag:s8], $0x0  }
0x24: {  	s3 =	sadd.s32 $0x88, s3;
	s6 =	simm.s32 @!p1 $0x1082;
	[sflag:s4] =	ssyncset.s32 $0xFFFFF086  }
0x25: {  	[simem:s6], [sflag:s4] =	dma.local [hbm:s3], $0xF7A  }
0x26: {  	[smem:$0x3F99] =	sst s1;
	(tag) =	ssettag s2;
	_ =	strace s9  }
0x27: {  	s1 =	sld [smem:$0x3FA9]  }
0x28: {  	s2 =	sld [smem:$0x3FAA]  }
0x29: {  	s4 =	sld [smem:$0x3FAC]  }
0x2a: {  	p0 =	seq.s32 s5, $0x0;
	s5 =	sld [smem:$0x3FAD]  }
0x2b: {  	s6 =	sld [smem:$0x3FAE]  }
0x2c: {  	s7 =	sld [smem:$0x3FAF]  }
0x2d: {  	s3 =	simm.s32 $0x108;
	s8 =	sld [smem:$0x3FB0]  }
0x2e: {  	s3 =	simm.s32 @!p0 $0x1082;
	s9 =	sld [smem:$0x3FB1]  }
0x2f: {  	lr =	sadd.s32 s0, s3;
	s0 =	sld [smem:$0x3FA8]  }
0x30: {  	s3 =	sld [smem:$0x3FAB]  }
0x31: {  	[smem:$0x3FB4] =	sst s10  }
0x32: {  	s10 =	sld [smem:$0x3FB2];
	_ =	sdelay $0x3  }
0x33: {  	p0 =	seq.s32 s10, $0x1;
	s10 =	sld [smem:$0x3FB4];
	_ =	sdelay $0x3  }
0x34: {  	[smem:$0x3FB4] =	sst s10  }
0x35: {  	s10 =	sld [smem:$0x3FB3];
	_ =	sdelay $0x3  }
0x36: {  	p1 =	seq.s32 s10, $0x1;
	s10 =	sld [smem:$0x3FB4];
	_ =	sdelay $0x3  }
0x37: {  	[smem:$0x3FB4] =	sst s10  }
0x38: {  	s10 =	sld [smem:$0x3FB5]  }
0x39: {  	_ = 	snop;
	(pc) =	sbr.ind lr, $3  }
0x3a: {  	_ = 	snop  }
0x3b: {  	_ = 	snop  }
0x3c: {  	p2 =	seq.s32 s10, $0x1;
	s10 =	sld [smem:$0x3FB4]  }
0x3d: {  	_ =	shalt  }
0x3e: {  	_ =	shalt  }
0x3f: {  	_ =	shalt  }
0x40: {  	_ =	shalt  }
0x41: {  	_ =	shalt  }
0x42: {  	_ =	shalt  }
0x43: {  	_ =	shalt  }
0x44: {  	_ =	shalt  }
0x45: {  	_ =	shalt  }
0x46: {  	_ =	shalt  }
0x47: {  	_ =	shalt  }
0x48: {  	_ =	shalt  }
0x49: {  	_ =	shalt  }
0x4a: {  	_ =	shalt  }
0x4b: {  	_ =	shalt  }
0x4c: {  	_ =	shalt  }
0x4d: {  	_ =	shalt  }
0x4e: {  	_ =	shalt  }
0x4f: {  	_ =	shalt  }
0x50: {  	_ =	shalt  }
0x51: {  	_ =	shalt  }
0x52: {  	_ =	shalt  }
0x53: {  	_ =	shalt  }
0x54: {  	_ =	shalt  }
0x55: {  	_ =	shalt  }
0x56: {  	_ =	shalt  }
0x57: {  	_ =	shalt  }
0x58: {  	_ =	shalt  }
0x59: {  	_ =	shalt  }
0x5a: {  	_ =	shalt  }
0x5b: {  	_ =	shalt  }
0x5c: {  	_ =	shalt  }
0x5d: {  	_ =	shalt  }
0x5e: {  	_ =	shalt  }
0x5f: {  	_ =	shalt  }
0x60: {  	_ =	shalt  }
0x61: {  	_ =	shalt  }
0x62: {  	_ =	shalt  }
0x63: {  	_ =	shalt  }
0x64: {  	_ =	shalt  }
0x65: {  	_ =	shalt  }
0x66: {  	_ =	shalt  }
0x67: {  	_ =	shalt  }
0x68: {  	_ =	shalt  }
0x69: {  	_ =	shalt  }
0x6a: {  	_ =	shalt  }
0x6b: {  	_ =	shalt  }
0x6c: {  	_ =	shalt  }
0x6d: {  	_ =	shalt  }
0x6e: {  	_ =	shalt  }
0x6f: {  	_ =	shalt  }
0x70: {  	_ =	shalt  }
0x71: {  	_ =	shalt  }
0x72: {  	_ =	shalt  }
0x73: {  	_ =	shalt  }
0x74: {  	_ =	shalt  }
0x75: {  	_ =	shalt  }
0x76: {  	_ =	shalt  }
0x77: {  	_ =	shalt  }
0x78: {  	_ =	shalt  }
0x79: {  	_ =	shalt  }
0x7a: {  	_ =	shalt  }
0x7b: {  	_ =	shalt  }
0x7c: {  	_ =	shalt  }
0x7d: {  	_ =	shalt  }
0x7e: {  	_ =	shalt  }
0x7f: {  	_ =	shalt  }
0x80: {  	_ =	shalt  }
0x81: {  	_ =	shalt  }
0x82: {  	_ =	shalt  }
0x83: {  	_ =	shalt  }
0x84: {  	_ =	shalt  }
0x85: {  	_ =	shalt  }
0x86: {  	_ =	shalt  }
0x87: {  	_ =	shalt  }
.Lfunc_end0:
.L_simem_size_0:
called_computation_lowered:
.L_overlay_start_0:
0x88: {  	s2 =	sld [smem:$0x3FD9]  }
0x89: {  	s3 =	sld [smem:$0x3FFE];
	_ =	sdelay $0x1  }
0x8a: {  	s1 =	srdreg.scid  }
0x8b: {  	s0 =	sand.u32 $0x1, s1  }
0x8c: {  	s17 =	sshll.u32 s0, $0xA;
	s2 =	sadd.s32 s3, s2  }
0x8d: {  	s2 =	sadd.s32 s2, s17  }
0x8e: {  	[smem:$0x3FC0] =	sst s2  }
0x8f: {  	_ = 	snop  }
0x90: {  	s2 =	sld [smem:$0x3FC8];
	(tm) =	ssettm $0x1  }
0x91: {  	s18 =	sld [smem:$0x3FFB];
	_ =	sdelay $0x3  }
0x92: {  	_ =	strace s18  }
0x93: {  	s3 =	sld [smem:$0x3FFC];
	_ =	sdelay $0x3  }
0x94: {  	_ =	strace s3  }
0x95: {  	s3 =	sld [smem:$0x3FFD];
	_ =	sdelay $0x3  }
0x96: {  	_ =	strace s3  }
0x97: {  	_ =	strace $0x8FFFFFFF  }
0x98: {  	s19 =	sld [smem:$0x3FDB];
	_ =	sdelay $0x1  }
0x99: {  	s4 =	simm.s32 $_scs_section_size  }
0x9a: {  	s5 =	simm.s32 $_size__tile_overlayer_lowered;
	s6 =	simm.s32 $_tile_overlayer_lowered  }
0x9b: {  	s22 =	simm.s32 $0x1BFF;
	s21 =	sshll.u32 s6, $0x1;
	s3 =	sadd.s32 s4, s19  }
0x9c: {  	s7 =	simm.s32 $0x0;
	s20 =	sshll.u32 s5, $0x1;
	s5 =	sadd.s32 s21, s3  }
0x9d: {  	[timem:s7], [sflag:s22] =	dma.local [hbm:s5], s20  }
0x9e: {  	_ =	swait.ge [sflag:s22], s20  }
0x9f: {  	s4 =	ssub.s32 $0x0, s20;
	[sflag:s22] =	ssyncset.done $0x0  }
0xa0: {  	[sflag:s22] =	ssyncadd.s32 s4;
	_ =	sdelay $0x1  }
0xa1: {  	s23 =	simm.s32 $0x1B8B  }
0xa2: {  	_ =	swait.ge [sflag:s23], $0x1  }
0xa3: {  	[sflag:s23] =	ssyncset.done $0x0  }
0xa4: {  	s25 =	simm.s32 $0x1B8E;
	s24 =	sld [smem:$0x3FFE];
	[sflag:s23] =	ssyncadd.s32 $0xFFFFFFFF  }
0xa5: {  	s26 =	simm.s32 $execute0_lowered;
	[smem:$0x3FD2] =	sst s25  }
0xa6: {  	s5 =	sshll.u32 s26, $0x1;
	_ =	strace $0x80000046;
	[dreg:$0x1] =	wrdreg $0xFFFFFFFF  }
0xa7: {  	s28 =	simm.s32 $_size_execute0_lowered;
	s3 =	sadd.s32 s3, s5;
	[dreg:$0x0] =	wrdreg $0x0  }
0xa8: {  	s5 =	sshll.u32 s28, $0x1;
	[dreg:$0x2] =	wrdreg s3  }
0xa9: {  	[dreg:$0x3] =	wrdreg s5  }
0xaa: {  	[dreg:$0x4] =	wrdreg $0xC0  }
0xab: {  	_ =	task [dreg:s7], $0x5FFFF  }
0xac: {  	[dreg:$0x1] =	wrdreg $0xFFFFFFFF  }
0xad: {  	[dreg:$0x0] =	wrdreg $0x60  }
0xae: {  	[dreg:$0x2] =	wrdreg s24  }
0xaf: {  	[dreg:$0x3] =	wrdreg s2  }
0xb0: {  	[dreg:$0x4] =	wrdreg $0x81200  }
0xb1: {  	[dreg:$0x5] =	wrdreg $0x9  }
0xb2: {  	_ =	task.clear_ibuf [dreg:s7], $0x6FFFF;
	_ =	strace $0x90000046  }
0xb3: {  	s29 =	simm.s32 $0x9;
	_ =	strace $0x80000048  }
0xb4: {  	_ =	swait.ge [sflag:s29], $0x1  }
0xb5: {  	[sflag:s29] =	ssyncadd.s32 $0xFFFFFFFF  }
0xb6: {  	_ =	strace $0x90000048  }
0xb7: {  	_ =	sfence  }
0xb8: {  	s30 =	sld [smem:$0x0];
	_ =	sdelay $0x2  }
0xb9: {  	s31 =	sshll.u32 s1, $0xD;
	s1 =	sshrl.u32 s1, $0x2  }
0xba: {  	s3 =	sand.u32 $0x4000, s31;
	s1 =	sadd.s32 s1, s30  }
0xbb: {  	s0 =	sor.u32 s3, s0;
	s1 =	sshll.u32 s1, $0x11  }
0xbc: {  	s0 =	sor.u32 s1, s0  }
0xbd: {  	s0 =	sadd.s32 $0x8F2B, s0  }
0xbe: {  	[sflag:s0] =	ssyncadd.remote.s32 $0x1  }
0xbf: {  	_ =	sfence.sel $0xFFFF  }
0xc0: {  	[dreg:$0x0] =	wrdreg $0xFFFFFFFF;
	(pc) =	sbr.abs _section_cstart, $3  }
0xc1: {  	[dreg:$0x1] =	wrdreg $0xFFFFFFFF  }
0xc2: {  	_ =	task.clear_ibuf [dreg:s7], $0x2FFFF;
	_ =	strace $0x9FFFFFFF  }
0xc3: {  	(tm) =	ssettm $0x7FFFFFFF  }
tec
execute0_lowered:
.L_overlay_start_1:
0x0: {  	(tag) =	ssettag $0x1  }
0x1: {  	s0 =	rddreg [dreg:$0x0]  }
0x2: {  	s1 =	srdreg.scid;
	s2 =	rddreg [dreg:$0x1]  }
0x3: {  	s22 =	stileid.u32;
	s3 =	rddreg [dreg:$0x2];
	s28 =	simm.s32 $0x3  }
0x4: {  	s29 =	simm.s32 $0x50;
	s30 =	simm.s32 $0x2DF0;
	s31 =	simm.s32 $0x1  }
0x5: {  	s1 =	sand.u32 $0x1, s1;
	s4 =	sshll.u32 s22, $0x1;
	s6 =	sadd.s32 $0x1000, s0  }
0x6: {  	s7 =	sadd.s32 $0x2D000, s0;
	s8 =	sadd.s32 $0x32000, s0;
	s11 =	smul.u32 $0x280, s22  }
0x7: {  	s10 =	sadd.s32 $0x45C00, s0;
	s15 =	sadd.s32 $0xA7E00, s0;
	s20 =	smul.u32 $0x2D00, s22  }
0x8: {  	s16 =	sadd.s32 $0x71E00, s0;
	s12 =	sadd.s32 $0x9DE00, s0;
	s26 =	smul.u32 $0x5A000, s22  }
0x9: {  	p0 =	seq.s32 s22, $0xF;
	s5 =	sor.u32 s1, s4;
	s18 =	smul.u32 $0x2BF20, s1  }
0xa: {  	s4 =	simm.s32 $0x0;
	s13 =	ssub.s32 $0x2, s1;
	s21 =	smul.u32 $0x15F900, s1  }
0xb: {  	p1 =	seq.s32 s1, $0x0;
	p2 =	seq.s32 s1, $0x1;
	s5 =	smul.u32 $0x2710, s5  }
0xc: {  	[smem:$0x7FF] =	sst s4;
	s17 =	sshrl.u32 s13, $0x1;
	s23 =	sshrl.u32 s26, $0x2  }
0xd: {  	s26 =	smul.u32 $0x500, s22;
	s22 =	simm.s32 $0x0;
	_ =	strace $0x80000047  }
0xe: {  	[dreg:$0x4] =	wrdreg s10;
	s10 =	sadd.s32 $0x45E00, s0;
	s19 =	ssub.s32 s13, s17  }
0xf: {  	s13 =	simm.s32 $0x5;
	s18 =	sadd.s32 s20, s18;
	s24 =	sshrl.u32 s21, $0x3  }
0x10: {  	s17 =	sadd.s32 s23, s3;
	s23 =	simm.s32 $0x3;
	s9 =	sshrl.u32 s5, $0x3  }
0x11: {  	s13 =	simm.s32 @!p0 $0x8;
	s1 =	sadd.s32 s15, s18;
	s25 =	sadd.s32 s15, s24  }
0x12: {  	s19 =	smax.u32 s19, $0x1;
	s24 =	simm.s32 $0x2;
	s23 =	simm.s32 @!p1 $0x2  }
0x13: {  	s14 =	sadd.s32 s9, s0;
	s9 =	sadd.s32 s8, s9;
	[dreg:$0x7] =	wrdreg s1  }
0x14: {  	v0 =	vlaneseq.u32;
	s0 =	sadd.s32 $0xA2E00, s0;
	s1 =	sadd.s32 $0x2A300, s25;
	[dreg:$0x6] =	wrdreg s9  }
0x15: {  	v9 =	vmul.u32 $0x90, v0;
	v0 =	vmul.u32 $0x10, v0;
	s14 =	sadd.s32 $0x3BE00, s14;
	s9 =	smov.u32 s16;
	[dreg:$0x8] =	wrdreg s1  }
0x16: {  	v1 =	vimm.f32 $0.0e+00;
	s1 =	sadd.s32 $0x151800, s3;
	[dreg:$0x5] =	wrdreg s14;
	s14 =	smov.u32 s0  }
0x17: {  	v2 =	vadd.s32 $0x80, v9;
	v3 =	vadd.s32 $0x980, v9;
	v4 =	vor.u32 $0x100, v0;
	s9 =	smov.u32 @p1 s10;
	s10 =	smov.u32 @p2 s16;
	s25 =	sshrl.u32 @p0 s1, $0x3  }
0x18: {  	v5 =	vadd.s32 $0x1280, v9;
	v6 =	vor.u32 $0x200, v0;
	v7 =	vadd.s32 $0x1B80, v9;
	s1 =	simm.s32 $0xA0;
	s14 =	smov.u32 @p1 s12;
	s12 =	smov.u32 @p2 s0  }
0x19: {  	v8 =	vor.u32 $0x300, v0;
	v9 =	vadd.s32 $0x2480, v9;
	v10 =	vor.u32 $0x400, v0;
	s20 =	sadd.s32 s20, s9;
	s21 =	sadd.s32 s26, s14;
	s26 =	simm.s32 $0xF0  }
.LBB2_1:
0x1a: {  	s0 =	rddreg [dreg:$0x4];
	s9 =	simm.s32 $0x32F0  }
0x1b: {  	[tilespmem:s9], [sflag:$0x2] =	stream.linear.gather [hbm4b:s0+s4], $0x10, $0x38;
	[tilespmem:$0x1E0B0] =	vst v63  }
0x1c: {  	_ =	swait.ge [sflag:s24], $0x10  }
0x1d: {  	[sflag:s24] =	ssyncset.done $0x0  }
0x1e: {  	s0 =	simm.s32 $0x0;
	s9 =	simm.s32 $0x240;
	[sflag:s24] =	ssyncadd.s32 $0xFFFFFFF0  }
.LBB2_2:
0x1f: {  	p1 =	seq.s32 s9, $0xB1C0;
	[tilespmem:s0+$0x170] =	vst v1  }
0x20: {  	[tilespmem:s0+$0xF0] =	vst v1  }
0x21: {  	[tilespmem:s0+$0x100] =	vst v1  }
0x22: {  	[tilespmem:s0+$0x110] =	vst v1  }
.Ltmp0:
0x23: {  	[tilespmem:s0+$0x120] =	vst v1;
	(pc) =	sbr.rel @!p1 .LBB2_2-.Ltmp0, $4  }
0x24: {  	[tilespmem:s0+$0x130] =	vst v1  }
0x25: {  	[tilespmem:s0+$0x140] =	vst v1  }
0x26: {  	[tilespmem:s0+$0x150] =	vst v1  }
0x27: {  	[tilespmem:s0+$0x160] =	vst v1;
	s0 =	sshra.s32 s9, $0x2;
	s9 =	sadd.s32 $0x240, s9  }
0x28: {  	[tilespmem:s0+$0x170] =	vst v1  }
0x29: {  	[tilespmem:s0+$0xF0] =	vst v1  }
0x2a: {  	[tilespmem:s0+$0x100] =	vst v1  }
0x2b: {  	[tilespmem:s0+$0x110] =	vst v1  }
0x2c: {  	[tilespmem:s0+$0x120] =	vst v1  }
0x2d: {  	[tilespmem:s0+$0x130] =	vst v1  }
0x2e: {  	[tilespmem:s0+$0x140] =	vst v1;
	p1 =	seq.s32 s13, $0x1  }
.Ltmp1:
0x2f: {  	[tilespmem:s0+$0x150] =	vst v1;
	(pc) =	sbr.rel @p1 .LBB2_5-.Ltmp1, $4  }
0x30: {  	[tilespmem:s0+$0x160] =	vst v1  }
0x31: {  	[spmem:s17] =	stream.linear.scatter [tilespmem:s26], [sflag:$0x2], $0x2D00, $0x38;
	[tilespmem:$0x1E0B0] =	vst v63  }
0x32: {  	_ =	swait.ge [sflag:s24], $0x2D00  }
0x33: {  	s0 =	sadd.s32 $0xFFFFFFFF, s13;
	s9 =	smov.u32 s17;
	[sflag:s24] =	ssyncset.done $0x0  }
.LBB2_4:
0x34: {  	p1 =	seq.s32 s0, $0x1;
	[sflag:s24] =	ssyncadd.s32 $0xFFFFD300;
	s9 =	sadd.s32 $0x2D00, s9  }
.Ltmp2:
0x35: {  	s0 =	sadd.s32 $0xFFFFFFFF, s0;
	(pc) =	sbr.rel @!p1 .LBB2_4-.Ltmp2, $4  }
0x36: {  	_ = 	snop  }
0x37: {  	[spmem:s9] =	stream.linear.scatter [tilespmem:s26], [sflag:$0x2], $0x2D00, $0x38;
	[tilespmem:$0x1E0B0] =	vst v63  }
0x38: {  	_ =	swait.ge [sflag:s24], $0x2D00  }
0x39: {  	[sflag:s24] =	ssyncset.done $0x0  }
.LBB2_5:
0x3a: {  	p2 =	sne.s32 s13, $0x1  }
.Ltmp3:
0x3b: {  	_ = 	snop;
	(pc) =	sbr.rel @!p2 .LBB2_6-.Ltmp3, $3  }
0x3c: {  	_ =	sdelay $0x1  }
0x3d: {  	[sflag:s24] =	ssyncadd.s32 $0xFFFFD300  }
0x3e: {  	s0 =	sadd.s32 $0xFFFFFFFF, s13;
	s16 =	sshrl.u32 s11, $0x3;
	p1 =	por $0x0, $0x0  }
0x3f: {  	s9 =	sadd.s32 s2, s16  }
0x40: {  	[tilespmem:s4], [sflag:$0x3] =	stream.linear.gather [hbm4b:s9+s4], $0x50, $0x38;
	[tilespmem:$0x1E0B0] =	vst v63  }
0x41: {  	_ =	swait.ge [sflag:s28], $0x50  }
0x42: {  	[sflag:s28] =	ssyncset.done $0x0  }
0x43: {  	[sflag:s28] =	ssyncadd.s32 $0xFFFFFFB0  }
0x44: {  	[tilespmem:s26], [sflag:$0x1] =	stream.indirect.gather [hbm4b:s6+s29], $0x90, s4, s29, $0xb8;
	[tilespmem:$0x1E0B0] =	vst v63  }
0x45: {  	_ = 	snop  }
0x46: {  	[tilespmem:s30], [sflag:$0x1] =	stream.indirect.gather [hbm4b:s7+s29], $0x10, s4, s29, $0xb8;
	[tilespmem:$0x1E0B0] =	vst v63  }
0x47: {  	_ =	swait.ge [sflag:s31], $0x2D00  }
0x48: {  	[sflag:s31] =	ssyncset.done $0x0  }
0x49: {  	[sflag:s31] =	ssyncadd.s32 $0xFFFFD300  }
0x4a: {  	_ =	swait.ge [sflag:s31], $0x500  }
0x4b: {  	[sflag:s31] =	ssyncset.done $0x0  }
0x4c: {  	[sflag:s31] =	ssyncadd.s32 $0xFFFFFB00  }
0x4d: {  	[hbm4b:s20+s4] =	stream.linear.scatter [tilespmem:s26], [sflag:$0x3], $0x2D00, $0x38;
	[tilespmem:$0x1E0B0] =	vst v63  }
0x4e: {  	p2 =	sne.s32 s0, $0x1;
	_ =	swait.ge [sflag:s28], $0x2D00  }
.Ltmp4:
0x4f: {  	[sflag:s28] =	ssyncset.done $0x0;
	(pc) =	sbr.rel @!p2 .LBB2_8-.Ltmp4, $4  }
0x50: {  	s14 =	sadd.s32 $0x50, s11;
	s15 =	sadd.s32 $0xFFFFFFFF, s0;
	[sflag:s28] =	ssyncadd.s32 $0xFFFFD300  }
0x51: {  	[hbm4b:s21+s4] =	stream.linear.scatter [tilespmem:s30], [sflag:s23], $0x500, $0x38;
	[tilespmem:$0x1E0B0] =	vst v63  }
0x52: {  	s0 =	sadd.s32 $0xA0, s21;
	p1 =	por $0x1, $0x1;
	_ =	swait.ge [sflag:s23], $0x500  }
0x53: {  	s16 =	sshrl.u32 s14, $0x3;
	s9 =	smov.u32 s20;
	[sflag:s23] =	ssyncset.done $0x0  }
.LBB2_9:
0x54: {  	s16 =	sadd.s32 s2, s16;
	[sflag:s23] =	ssyncadd.s32 $0xFFFFFB00;
	s9 =	sadd.s32 $0x5A0, s9  }
0x55: {  	[tilespmem:s4], [sflag:$0x3] =	stream.linear.gather [hbm4b:s16+s4], $0x50, $0x38;
	[tilespmem:$0x1E0B0] =	vst v63  }
0x56: {  	p2 =	sne.s32 s15, $0x1;
	s15 =	sadd.s32 $0xFFFFFFFF, s15;
	_ =	swait.ge [sflag:s28], $0x50  }
0x57: {  	[sflag:s28] =	ssyncset.done $0x0  }
0x58: {  	[sflag:s28] =	ssyncadd.s32 $0xFFFFFFB0  }
0x59: {  	[tilespmem:s26], [sflag:$0x1] =	stream.indirect.gather [hbm4b:s6+s29], $0x90, s4, s29, $0xb8;
	[tilespmem:$0x1E0B0] =	vst v63  }
0x5a: {  	_ = 	snop  }
0x5b: {  	[tilespmem:s30], [sflag:$0x1] =	stream.indirect.gather [hbm4b:s7+s29], $0x10, s4, s29, $0xb8;
	[tilespmem:$0x1E0B0] =	vst v63  }
0x5c: {  	_ =	swait.ge [sflag:s31], $0x2D00  }
0x5d: {  	[sflag:s31] =	ssyncset.done $0x0  }
0x5e: {  	[sflag:s31] =	ssyncadd.s32 $0xFFFFD300  }
0x5f: {  	_ =	swait.ge [sflag:s31], $0x500  }
0x60: {  	[sflag:s31] =	ssyncset.done $0x0  }
0x61: {  	[sflag:s31] =	ssyncadd.s32 $0xFFFFFB00  }
0x62: {  	[hbm4b:s9+s4] =	stream.linear.scatter [tilespmem:s26], [sflag:$0x3], $0x2D00, $0x38;
	[tilespmem:$0x1E0B0] =	vst v63  }
0x63: {  	_ =	swait.ge [sflag:s28], $0x2D00  }
.Ltmp5:
0x64: {  	[sflag:s28] =	ssyncset.done $0x0;
	(pc) =	sbr.rel @p2 .LBB2_9-.Ltmp5, $4  }
0x65: {  	[sflag:s28] =	ssyncadd.s32 $0xFFFFD300  }
0x66: {  	[hbm4b:s0+s4] =	stream.linear.scatter [tilespmem:s30], [sflag:s23], $0x500, $0x38;
	[tilespmem:$0x1E0B0] =	vst v63  }
0x67: {  	s14 =	sadd.s32 $0x50, s14;
	_ =	swait.ge [sflag:s23], $0x500  }
0x68: {  	s16 =	sshrl.u32 s14, $0x3;
	s0 =	sadd.s32 $0xA0, s0;
	[sflag:s23] =	ssyncset.done $0x0  }
.LBB2_10:
0x69: {  	s14 =	sadd.s32 s2, s16;
	[sflag:s23] =	ssyncadd.s32 @p1 $0xFFFFFB00  }
0x6a: {  	[tilespmem:s4], [sflag:$0x3] =	stream.linear.gather [hbm4b:s14+s4], $0x50, $0x38;
	[tilespmem:$0x1E0B0] =	vst v63  }
0x6b: {  	_ =	swait.ge [sflag:s28], $0x50  }
0x6c: {  	[sflag:s28] =	ssyncset.done $0x0  }
0x6d: {  	[sflag:s28] =	ssyncadd.s32 $0xFFFFFFB0  }
0x6e: {  	[tilespmem:s26], [sflag:$0x1] =	stream.indirect.gather [hbm4b:s6+s29], $0x90, s4, s29, $0xb8;
	[tilespmem:$0x1E0B0] =	vst v63  }
0x6f: {  	_ = 	snop  }
0x70: {  	[tilespmem:s30], [sflag:$0x1] =	stream.indirect.gather [hbm4b:s7+s29], $0x10, s4, s29, $0xb8;
	[tilespmem:$0x1E0B0] =	vst v63  }
0x71: {  	_ =	swait.ge [sflag:s31], $0x2D00  }
0x72: {  	[sflag:s31] =	ssyncset.done $0x0  }
0x73: {  	[sflag:s31] =	ssyncadd.s32 $0xFFFFD300  }
0x74: {  	_ =	swait.ge [sflag:s31], $0x500  }
0x75: {  	s9 =	sadd.s32 @p1 $0x5A0, s9;
	s14 =	smov.u32 s20;
	[sflag:s31] =	ssyncset.done $0x0  }
0x76: {  	s14 =	smov.u32 @p1 s9;
	[sflag:s31] =	ssyncadd.s32 $0xFFFFFB00  }
0x77: {  	[hbm4b:s14+s4] =	stream.linear.scatter [tilespmem:s26], [sflag:$0x3], $0x2D00, $0x38;
	[tilespmem:$0x1E0B0] =	vst v63  }
0x78: {  	_ =	swait.ge [sflag:s28], $0x2D00  }
0x79: {  	[sflag:s28] =	ssyncset.done $0x0  }
0x7a: {  	[sflag:s28] =	ssyncadd.s32 $0xFFFFD300  }
0x7b: {  	[hbm4b:s0+s4] =	stream.linear.scatter [tilespmem:s30], [sflag:s23], $0x500, $0x38;
	[tilespmem:$0x1E0B0] =	vst v63  }
0x7c: {  	_ =	swait.ge [sflag:s23], $0x500  }
0x7d: {  	s15 =	simm.s32 $0x3300;
	[sflag:s23] =	ssyncset.done $0x0  }
0x7e: {  	s0 =	simm.s32 $0x0;
	s14 =	rddreg [dreg:$0x5];
	[sflag:s23] =	ssyncadd.s32 $0xFFFFFB00  }
0x7f: {  	[tilespmem:s15], [sflag:$0x1] =	stream.linear.gather [hbm4b:s14+s0], $0x2710, $0x38;
	[tilespmem:$0x1E0B0] =	vst v63  }
0x80: {  	s18 =	simm.s32 $0x5A10;
	s16 =	rddreg [dreg:$0x6]  }
0x81: {  	[tilespmem:s18], [sflag:$0x1] =	stream.linear.gather [hbm4b:s16+s0], $0x2710, $0x38;
	[tilespmem:$0x1E0B0] =	vst v63  }
0x82: {  	_ =	swait.ge [sflag:s31], $0x2710  }
0x83: {  	[sflag:s31] =	ssyncset.done $0x0  }
0x84: {  	[sflag:s31] =	ssyncadd.s32 $0xFFFFD8F0  }
0x85: {  	_ =	swait.ge [sflag:s31], $0x2710  }
0x86: {  	[sflag:s31] =	ssyncset.done $0x0  }
0x87: {  	[sflag:s31] =	ssyncadd.s32 $0xFFFFD8F0  }
0x88: {  	[bflag:$0x0] =	sbarrier.arrive $0xFFFF  }
0x89: {  	s9 =	simm.s32 $0x0;
	v11 =	vld [tilespmem:$0x32F0]  }
.LBB2_11:
0x8a: {  	s14 =	smul.u32 $0x50, s9;
	_ =	sdelay $0x1  }
0x8b: {  	s15 =	sadd.s32 s5, s14  }
0x8c: {  	s15 =	sshrl.u32 s15, $0x3  }
0x8d: {  	s15 =	sadd.s32 s8, s15  }
0x8e: {  	[tilespmem:s29], [sflag:$0x1] =	stream.linear.gather [hbm4b:s15+s0], $0x50, $0x38;
	[tilespmem:$0x1E0B0] =	vst v63  }
0x8f: {  	s18 =	sadd.s32 $0x5A10, s14  }
0x90: {  	[tilespmem:s30], [sflag:$0x1] =	stream.indirect.gather [hbm4b:s12+s29], $0x10, s18, s29, $0xb8;
	[tilespmem:$0x1E0B0] =	vst v63  }
0x91: {  	s14 =	sadd.s32 $0x3300, s14  }
0x92: {  	[tilespmem:s26], [sflag:$0x1] =	stream.indirect.gather [hbm4b:s10+s29], $0x90, s14, s29, $0xb8;
	[tilespmem:$0x1E0B0] =	vst v63  }
0x93: {  	_ =	swait.ge [sflag:s31], $0x500  }
0x94: {  	[sflag:s31] =	ssyncset.done $0x0  }
0x95: {  	[sflag:s31] =	ssyncadd.s32 $0xFFFFFB00  }
0x96: {  	_ =	swait.ge [sflag:s31], $0x2D00  }
0x97: {  	[sflag:s31] =	ssyncset.done $0x0  }
0x98: {  	[sflag:s31] =	ssyncadd.s32 $0xFFFFD300  }
0x99: {  	_ =	swait.ge [sflag:s31], $0x50  }
0x9a: {  	[sflag:s31] =	ssyncset.done $0x0  }
0x9b: {  	[sflag:s31] =	ssyncadd.s32 $0xFFFFFFB0  }
0x9c: {  	v12 =	vld.idx.msk [tilespmem:v2+s26+$0x0], $0xffff  }
0x9d: {  	v13 =	vld.idx.msk [tilespmem:v0+s30+$0x0], $0xffff;
	_ =	sdelay $0x4  }
0x9e: {  	v12 =	vadd.f32 v13, v12;
	_ =	sdelay $0x1  }
0x9f: {  	v13 =	vmul.f32 $2.000000030e-01, v12  }
0xa0: {  	vm0 =	vgt.f32 v12, $0.0e+00  }
0xa1: {  	v12 =	vsel vm0, v12, v13  }
0xa2: {  	v12 =	vsub.f32 v12, v11;
	_ =	sdelay $0x1  }
0xa3: {  	v12 =	vmul.f32 $1.442695020e+00, v12;
	_ =	sdelay $0x1  }
0xa4: {  	(erf) = vpow2.f32 v12;
	_ =	sdelay $0x8  }
0xa5: {  	v12 =	vpop (erf)  }
0xa6: {  	[tilespmem:$0xA0] =	vst v12  }
0xa7: {  	v12 =	vld.idx.msk [tilespmem:v3+s26+$0x0], $0xffff  }
0xa8: {  	v13 =	vld.idx.msk [tilespmem:v4+s30+$0x0], $0xffff;
	_ =	sdelay $0x4  }
0xa9: {  	v12 =	vadd.f32 v13, v12;
	_ =	sdelay $0x1  }
0xaa: {  	v13 =	vmul.f32 $2.000000030e-01, v12  }
0xab: {  	vm12 =	vgt.f32 v12, $0.0e+00  }
0xac: {  	v12 =	vsel vm12, v12, v13  }
0xad: {  	v12 =	vsub.f32 v12, v11;
	_ =	sdelay $0x1  }
0xae: {  	v12 =	vmul.f32 $1.442695020e+00, v12;
	_ =	sdelay $0x1  }
0xaf: {  	(erf) = vpow2.f32 v12;
	_ =	sdelay $0x8  }
0xb0: {  	v12 =	vpop (erf)  }
0xb1: {  	[tilespmem:$0xB0] =	vst v12  }
0xb2: {  	v12 =	vld.idx.msk [tilespmem:v5+s26+$0x0], $0xffff  }
0xb3: {  	v13 =	vld.idx.msk [tilespmem:v6+s30+$0x0], $0xffff;
	_ =	sdelay $0x4  }
0xb4: {  	v12 =	vadd.f32 v13, v12;
	_ =	sdelay $0x1  }
0xb5: {  	v13 =	vmul.f32 $2.000000030e-01, v12  }
0xb6: {  	vm13 =	vgt.f32 v12, $0.0e+00  }
0xb7: {  	v12 =	vsel vm13, v12, v13  }
0xb8: {  	v12 =	vsub.f32 v12, v11;
	_ =	sdelay $0x1  }
0xb9: {  	v12 =	vmul.f32 $1.442695020e+00, v12;
	_ =	sdelay $0x1  }
0xba: {  	(erf) = vpow2.f32 v12;
	_ =	sdelay $0x8  }
0xbb: {  	v12 =	vpop (erf)  }
0xbc: {  	[tilespmem:$0xC0] =	vst v12  }
0xbd: {  	v12 =	vld.idx.msk [tilespmem:v7+s26+$0x0], $0xffff  }
0xbe: {  	v13 =	vld.idx.msk [tilespmem:v8+s30+$0x0], $0xffff;
	_ =	sdelay $0x4  }
0xbf: {  	v12 =	vadd.f32 v13, v12;
	_ =	sdelay $0x1  }
0xc0: {  	v13 =	vmul.f32 $2.000000030e-01, v12  }
0xc1: {  	vm14 =	vgt.f32 v12, $0.0e+00  }
0xc2: {  	v12 =	vsel vm14, v12, v13  }
0xc3: {  	v12 =	vsub.f32 v12, v11;
	_ =	sdelay $0x1  }
0xc4: {  	v12 =	vmul.f32 $1.442695020e+00, v12;
	_ =	sdelay $0x1  }
0xc5: {  	(erf) = vpow2.f32 v12;
	_ =	sdelay $0x8  }
0xc6: {  	v12 =	vpop (erf)  }
0xc7: {  	[tilespmem:$0xD0] =	vst v12  }
0xc8: {  	v12 =	vld.idx.msk [tilespmem:v9+s26+$0x0], $0xffff  }
0xc9: {  	v13 =	vld.idx.msk [tilespmem:v10+s30+$0x0], $0xffff;
	_ =	sdelay $0x4  }
0xca: {  	v12 =	vadd.f32 v13, v12;
	_ =	sdelay $0x1  }
0xcb: {  	v13 =	vmul.f32 $2.000000030e-01, v12  }
0xcc: {  	vm15 =	vgt.f32 v12, $0.0e+00  }
0xcd: {  	v12 =	vsel vm15, v12, v13  }
0xce: {  	v12 =	vsub.f32 v12, v11;
	_ =	sdelay $0x1  }
0xcf: {  	v12 =	vmul.f32 $1.442695020e+00, v12;
	_ =	sdelay $0x1  }
0xd0: {  	(erf) = vpow2.f32 v12;
	_ =	sdelay $0x8  }
0xd1: {  	v13 =	vmov s0;
	v12 =	vpop (erf)  }
0xd2: {  	s14 =	simm.s32 $0x130;
	[tilespmem:$0xE0] =	vst v12  }
0xd3: {  	v16 =	vld [tilespmem:s14+$0x30]  }
0xd4: {  	v19 =	vld [tilespmem:s14+$0x10]  }
0xd5: {  	v17 =	vld [tilespmem:s14+$0xFFFFFFC0]  }
0xd6: {  	v13 =	vld.idx.msk [tilespmem:v13+s1+$0x0], $0xffff  }
0xd7: {  	v21 =	vld [tilespmem:s14+$0xFFFFFFE0]  }
0xd8: {  	v12 =	vld [tilespmem:s14+$0xFFFFFFF0]  }
0xd9: {  	v14 =	vld [tilespmem:s14+$0x20]  }
0xda: {  	v15 =	vld [tilespmem:s14+$0xFFFFFFD0]  }
0xdb: {  	v20 =	vmul.f32 v16, v13;
	v16 =	vld [tilespmem:s14+$0x0]  }
0xdc: {  	v18 =	vmul.f32 v17, v13  }
0xdd: {  	s16 =	simm.s32 $0x130;
	s15 =	simm.s32 $0x1;
	[tilespmem:s14+$0x40] =	vst v13;
	v17 =	vmul.f32 v21, v13;
	v19 =	vmul.f32 v19, v13  }
.LBB2_12:
0xde: {  	p1 =	sne.s32 s15, $0x4F  }
0xdf: {  	v15 =	vmul.f32 v15, v13;
	v14 =	vmul.f32 v14, v13;
	[tilespmem:s14+$0x30] =	vst v20;
	s16 =	sadd.s32 $0x90, s16;
	s18 =	smov.u32 s15;
	s15 =	sadd.s32 $0x1, s15  }
0xe0: {  	[tilespmem:s14+$0xFFFFFFC0] =	vst v18;
	v18 =	vmul.f32 v12, v13;
	v13 =	vmul.f32 v16, v13  }
0xe1: {  	[tilespmem:s14+$0x10] =	vst v19  }
0xe2: {  	v16 =	vmov s18;
	[tilespmem:s14+$0xFFFFFFE0] =	vst v17  }
0xe3: {  	v12 =	vld [tilespmem:s16+$0xFFFFFFF0];
	[tilespmem:s14+$0xFFFFFFF0] =	vst v18  }
0xe4: {  	v17 =	vld [tilespmem:s16+$0x30];
	[tilespmem:s14+$0x0] =	vst v13  }
0xe5: {  	v19 =	vld [tilespmem:s16+$0x10];
	[tilespmem:s14+$0x20] =	vst v14  }
0xe6: {  	v18 =	vld [tilespmem:s16+$0xFFFFFFC0];
	[tilespmem:s14+$0xFFFFFFD0] =	vst v15;
	s14 =	smov.u32 s16  }
0xe7: {  	v13 =	vld.idx.msk [tilespmem:v16+s1+$0x0], $0xffff  }
0xe8: {  	v21 =	vld [tilespmem:s16+$0xFFFFFFE0]  }
0xe9: {  	v14 =	vld [tilespmem:s16+$0x20]  }
.Ltmp6:
0xea: {  	v15 =	vld [tilespmem:s16+$0xFFFFFFD0];
	(pc) =	sbr.rel @p1 .LBB2_12-.Ltmp6, $3  }
0xeb: {  	v16 =	vld [tilespmem:s16+$0x0];
	_ =	sdelay $0x1  }
0xec: {  	v18 =	vmul.f32 v18, v13;
	v20 =	vmul.f32 v17, v13;
	[tilespmem:s16+$0x40] =	vst v13  }
0xed: {  	v19 =	vmul.f32 v19, v13;
	v17 =	vmul.f32 v21, v13  }
0xee: {  	[tilespmem:s14+$0x30] =	vst v20  }
0xef: {  	[tilespmem:s14+$0xFFFFFFC0] =	vst v18  }
0xf0: {  	v12 =	vmul.f32 v12, v13;
	[tilespmem:s14+$0x10] =	vst v19  }
0xf1: {  	v14 =	vmul.f32 v14, v13;
	[tilespmem:s14+$0xFFFFFFE0] =	vst v17  }
0xf2: {  	v63 =	vmul.f32 v15, v13;
	[tilespmem:s14+$0xFFFFFFF0] =	vst v12  }
0xf3: {  	s9 =	sadd.s32 $0x1, s9;
	v16 =	vmul.f32 v16, v13;
	[tilespmem:s14+$0x20] =	vst v14  }
0xf4: {  	p1 =	sne.s32 s9, $0x7D;
	[tilespmem:s14+$0xFFFFFFD0] =	vst v63  }
.Ltmp7:
0xf5: {  	[tilespmem:s14+$0x0] =	vst v16;
	(pc) =	sbr.rel @p1 .LBB2_11-.Ltmp7, $4  }
0xf6: {  	[spmem:s3] =	stream.indirect.scatter.add.f32 [tilespmem:s26], [sflag:$0x1], $0x90, s29, s29, $0xb8;
	[tilespmem:$0x1E0B0] =	vst v63  }
0xf7: {  	_ =	swait.ge [sflag:s31], $0x2D00  }
0xf8: {  	[sflag:s31] =	ssyncset.done $0x0  }
0xf9: {  	[sflag:s31] =	ssyncadd.s32 $0xFFFFD300  }
0xfa: {  	[bflag:$0x0] =	sbarrier.arrive $0xFFFF  }
0xfb: {  	s0 =	simm.s32 @p0 $0x1FC2;
	s9 =	rddreg [dreg:$0x8]  }
0xfc: {  	[hbm:s9], [sflag:s0] =	dma.local @p0 [spmem:s25], $0x1C20  }
0xfd: {  	s22 =	sadd.s32 $0x1, s22;
	s0 =	simm.s32 @p0 $0x2  }
0xfe: {  	p1 =	sne.s32 s22, s19;
	s9 =	stileid.u32;
	_ =	swait.ge @p0 [sflag:s0], $0x1C20  }
0xff: {  	s9 =	sshll.u32 @!p0 s9, $0x6;
	[sflag:s0] =	ssyncset.done @p0 $0x0;
	s14 =	rddreg [dreg:$0x7]  }
0x100: {  	[sflag:s0] =	ssyncadd.s32 @p0 $0xFFFFE3E0;
	s0 =	sor.u32 @!p0 $0x1C02, s9;
	s9 =	sshrl.u32 @!p0 s17, $0x3  }
0x101: {  	[hbm:s14], [sflag:s0] =	dma.local @!p0 [spmem:s9], $0x2D00  }
.Ltmp8:
0x102: {  	_ = 	snop;
	(pc) =	sbr.rel @p1 .LBB2_1-.Ltmp8, $4  }
.Ltmp9:
0x103: {  	s0 =	simm.s32 @!p0 $0x2;
	(pc) =	sbr.rel @!p1 .LBB2_15-.Ltmp9, $4  }
0x104: {  	_ =	swait.ge @!p0 [sflag:s0], $0x2D00  }
0x105: {  	[sflag:s0] =	ssyncset.done @!p0 $0x0  }
0x106: {  	[sflag:s0] =	ssyncadd.s32 @!p0 $0xFFFFD300  }
0x107: {  	_ = 	snop  }
.LBB2_6:
.Ltmp10:
0x108: {  	(pc) =	sbr.rel .LBB2_10-.Ltmp10, $2  }
0x109: {  	_ =	sdelay $0x2  }
0x10a: {  	s9 =	smov.u32 s20;
	s0 =	smov.u32 s21  }
.LBB2_8:
.Ltmp11:
0x10b: {  	(pc) =	sbr.rel .LBB2_10-.Ltmp11, $2  }
0x10c: {  	_ =	sdelay $0x2  }
0x10d: {  	s9 =	smov.u32 s20  }
.LBB2_15:
0x10e: {  	_ =	sfence.sel $0x180000  }
0x10f: {  	[bflag:$0x0] =	sbarrier.arrive $0xFFFF  }
0x110: {  	_ =	strace $0x90000047  }
0x111: {  	s0 =	stileid.u32;
	[bflag:$0x2] =	sbarrier.arrive $0xFFFF  }
0x112: {  	p0 =	sne.s32 s0, $0x0;
	s0 =	rddreg [dreg:$0x3]  }
0x113: {  	s0 =	sadd.s32 @!p0 $0x100000, s0  }
0x114: {  	[sflag:s0] =	ssyncadd.tile.s32 @!p0 $0x1;
	_ =	shalt  }
.Lfunc_end2:
_tile_overlayer_lowered:
.L_overlay_start_2:
0x115: {  	(tag) =	ssettag $0x2  }
0x116: {  	s0 =	rddreg [dreg:$0x0];
	s2 =	stileid.u32  }
0x117: {  	s1 =	rddreg [dreg:$0x1];
	p0 =	sne.s32 s2, $0x0  }
0x118: {  	s3 =	rddreg [dreg:$0x2];
	[bflag:$0x3] =	sbarrier.arrive $0xFFFF;
	s2 =	simm.s32 @!p0 $0x1C02  }
0x119: {  	[timem:s3], [sflag:s2] =	dma.local @!p0 [hbm:s0], s1  }
0x11a: {  	s0 =	simm.s32 @!p0 $0x2  }
0x11b: {  	_ =	swait.ge @!p0 [sflag:s0], s1  }
0x11c: {  	s1 =	ssub.s32 @!p0 $0x0, s1;
	[sflag:s0] =	ssyncset.done @!p0 $0x0  }
0x11d: {  	[sflag:s0] =	ssyncadd.s32 @!p0 s1  }
0x11e: {  	[bflag:$0x3] =	sbarrier.arrive $0xFFFF  }
0x11f: {  	_ =	shalt  }

</sc_bundles>
